<compile_context>
chip_gen: v7x
topology: tpu7x:2x2x1
jax: 0.10.2.dev20260603
libtpu: 0.0.44.dev20260713+nightly
codegen_flags: <defaults>
</compile_context>

<pallas_src>
import functools

import jax
import jax.numpy as jnp
from jax import lax
from jax.experimental import pallas as pl
from jax.experimental.pallas import tpu as pltpu
from jax.experimental.pallas import tpu_sc as plsc

D = 32
B = 16384
BAG = 50
NC = 2
NS = 16
NW = NC * NS
BPW = B // NW
L = 16

_mesh = plsc.VectorSubcoreMesh(core_axis_name="c", subcore_axis_name="s")


@functools.partial(
    pl.kernel,
    mesh=_mesh,
    out_type=jax.ShapeDtypeStruct((B, D), jnp.float32),
    scratch_types=[
        pltpu.VMEM((BAG, BPW), jnp.int32),
        pltpu.VMEM((BPW, D), jnp.float32),
        pltpu.SemaphoreType.DMA,
    ],
    compiler_params=pltpu.CompilerParams(use_tc_tiling_on_sc=False),
)
def _bag(idx_hbm, w_hbm, out_hbm, idx_v, acc, sem):
    wid = lax.axis_index("s") * NC + lax.axis_index("c")
    idx_cp = pltpu.async_copy(idx_hbm.at[wid], idx_v, sem)
    zero = jnp.zeros((L,), jnp.float32)

    def zbody(i, carry):
        acc[i, pl.ds(0, L)] = zero
        acc[i, pl.ds(L, L)] = zero
        return carry

    lax.fori_loop(0, BPW, zbody, 0)
    idx_cp.wait()
    descs = [
        pltpu.async_copy(w_hbm.at[idx_v.at[j]], acc, sem, add=True)
        for j in range(BAG)
    ]
    for d in descs:
        d.wait()
    pltpu.sync_copy(acc, out_hbm.at[pl.ds(wid * BPW, BPW)])


def kernel(input, weight):
    idx = input.astype(jnp.int32)
    idx_r = idx.reshape(NW, BPW, BAG).transpose(0, 2, 1)
    return _bag(idx_r, weight)

# --- scband reference (transcript-rebuilt; emitter-appended) ---
"""Pipeline reference for scband-embedding-bag-6579889897861 (READ-ONLY COPY).

The authoritative reference and input builder live on the scoring server;
editing this copy changes nothing except your own understanding.
"""

import jax, jax.numpy as jnp
import numpy as np

NUM_EMBEDDINGS = 1000000
EMBEDDING_DIM = 32
BATCH = 16384
BAG = 50

def setup_inputs(seed: int = 0) -> dict:
    key = jax.random.key(seed)
    k_idx, k_w = jax.random.split(key)
    input = jax.random.randint(k_idx, (BATCH, BAG), 0, NUM_EMBEDDINGS, dtype=jnp.int64 if jax.config.jax_enable_x64 else jnp.int32)
    weight = jax.random.normal(k_w, (NUM_EMBEDDINGS, EMBEDDING_DIM), dtype=jnp.float32)
    return {"input": input, "weight": weight}

def reference(input, weight):
    # EmbeddingBag with 2D input and mode='sum':
    # equivalent to Embedding lookup followed by sum over the bag dimension.
    gathered = jnp.take(weight, input, axis=0)  # [B, BAG, D]
    return gathered.sum(axis=1)                 # [B, D]

if __name__ == "__main__":
    import jax
    _d = setup_inputs()
    print(jax.jit(kernel)(*tuple(_d.values())))

</pallas_src>

<mosaic_0001>
#map = affine_map<(d0, d1) -> (0, 0, 0)>
#map1 = affine_map<(d0, d1) -> (0, 0)>
module attributes {stable_mosaic.version = 14 : i64} {
  func.func @_bag(%arg0: i32, %arg1: i32, %arg2: memref<32x50x512xi32, #tpu.memory_space<hbm>>, %arg3: memref<1000000x32xf32, #tpu.memory_space<hbm>>, %arg4: memref<16384x32xf32, #tpu.memory_space<hbm>>, %arg5: memref<50x512xi32, #tpu.memory_space<vmem>>, %arg6: memref<512x32xf32, #tpu.memory_space<vmem>>, %arg7: memref<!tpu.dma_semaphore, #tpu.memory_space<semaphore_mem>>) attributes {dimension_semantics = [#tpu.dimension_semantics<core_parallel>, #tpu.dimension_semantics<subcore_parallel>], iteration_bounds = array<i64: 2, 16>, scalar_prefetch = 0 : i64, scratch_operands = 3 : i64, tpu.core_type = #tpu.core_type<sc_vector_subcore>, window_params = [{transform_indices = #map}, {transform_indices = #map1}, {transform_indices = #map1}]} {
    %mul3A = arith.constant 2 : i32
    %mul3A_0 = arith.muli %arg1, %mul3A : i32
    %add3A = arith.addi %mul3A_0, %arg0 : i32
    %dma_start3A = arith.constant 0 : i32
    %dma_start3A_1 = arith.constant 0 : i32
    %dma_start3A_2 = tpu.memref_slice %arg2[%add3A, %dma_start3A, %dma_start3A_1] : memref<32x50x512xi32, #tpu.memory_space<hbm>> -> memref<1x50x512xi32, #tpu.memory_space<hbm>>
    %dma_start3A_3 = tpu.memref_squeeze %dma_start3A_2 : memref<1x50x512xi32, #tpu.memory_space<hbm>> -> memref<50x512xi32, #tpu.memory_space<hbm>>
    %dma_start3A_4 = arith.constant 0 : i32
    %dma_start3A_5 = arith.constant 0 : i32
    %dma_start3A_6 = tpu.memref_slice %arg2[%add3A, %dma_start3A_4, %dma_start3A_5] : memref<32x50x512xi32, #tpu.memory_space<hbm>> -> memref<1x50x512xi32, #tpu.memory_space<hbm>>
    %dma_start3A_7 = tpu.memref_squeeze %dma_start3A_6 : memref<1x50x512xi32, #tpu.memory_space<hbm>> -> memref<50x512xi32, #tpu.memory_space<hbm>>
    tpu.enqueue_dma source(%dma_start3A_7 : memref<50x512xi32, #tpu.memory_space<hbm>>) target(%arg5 : memref<50x512xi32, #tpu.memory_space<vmem>>) target_semaphore(%arg7 : memref<!tpu.dma_semaphore, #tpu.memory_space<semaphore_mem>>)
    %broadcast_in_dim3A = arith.constant 0.000000e+00 : f32
    %broadcast_in_dim3A_8 = vector.broadcast %broadcast_in_dim3A : f32 to vector<16xf32>
    %scan3A = arith.constant 0 : i32
    %scan3A_9 = arith.constant 0 : i32
    %scan3A_10 = arith.constant 512 : i32
    %scan3A_11 = arith.addi %scan3A_9, %scan3A_10 : i32
    %scan3A_12 = arith.constant 1 : i32
    scf.for %scan3A_723 = %scan3A_9 to %scan3A_11 step %scan3A_12  : i32 {
      %swap3A = arith.index_cast %scan3A_723 : i32 to index
      %swap3A_724 = arith.constant 0 : index
      %swap3A_725 = tpu.vector_load %arg6[%swap3A, %swap3A_724] {strides = array<i32>} : memref<512x32xf32, #tpu.memory_space<vmem>>, vector<1x16xf32>,
      %swap3A_726 = vector.shape_cast %swap3A_725 : vector<1x16xf32> to vector<16xf32>
      %swap3A_727 = vector.shape_cast %broadcast_in_dim3A_8 : vector<16xf32> to vector<1x16xf32>
      tpu.vector_store %arg6[%swap3A, %swap3A_724], %swap3A_727 {strides = array<i32>} : memref<512x32xf32, #tpu.memory_space<vmem>>, vector<1x16xf32>,
      %swap3A_728 = arith.index_cast %scan3A_723 : i32 to index
      %swap3A_729 = arith.constant 16 : index
      %swap3A_730 = tpu.vector_load %arg6[%swap3A_728, %swap3A_729] {strides = array<i32>} : memref<512x32xf32, #tpu.memory_space<vmem>>, vector<1x16xf32>,
      %swap3A_731 = vector.shape_cast %swap3A_730 : vector<1x16xf32> to vector<16xf32>
      %swap3A_732 = vector.shape_cast %broadcast_in_dim3A_8 : vector<16xf32> to vector<1x16xf32>
      tpu.vector_store %arg6[%swap3A_728, %swap3A_729], %swap3A_732 {strides = array<i32>} : memref<512x32xf32, #tpu.memory_space<vmem>>, vector<1x16xf32>,
    }
    %scan3A_13 = arith.constant 512 : i32
    %dma_wait3A = arith.constant 0 : i32
    %dma_wait3A_14 = arith.constant 0 : i32
    %dma_wait3A_15 = tpu.memref_slice %arg2[%add3A, %dma_wait3A, %dma_wait3A_14] : memref<32x50x512xi32, #tpu.memory_space<hbm>> -> memref<1x50x512xi32, #tpu.memory_space<hbm>>
    %dma_wait3A_16 = tpu.memref_squeeze %dma_wait3A_15 : memref<1x50x512xi32, #tpu.memory_space<hbm>> -> memref<50x512xi32, #tpu.memory_space<hbm>>
    %dma_wait3A_17 = arith.constant 0 : i32
    %dma_wait3A_18 = arith.constant 0 : i32
    %dma_wait3A_19 = tpu.memref_slice %arg2[%add3A, %dma_wait3A_17, %dma_wait3A_18] : memref<32x50x512xi32, #tpu.memory_space<hbm>> -> memref<1x50x512xi32, #tpu.memory_space<hbm>>
    %dma_wait3A_20 = tpu.memref_squeeze %dma_wait3A_19 : memref<1x50x512xi32, #tpu.memory_space<hbm>> -> memref<50x512xi32, #tpu.memory_space<hbm>>
    tpu.wait_dma2 semaphore(%arg7 : memref<!tpu.dma_semaphore, #tpu.memory_space<semaphore_mem>>) src(%dma_wait3A_20 : memref<50x512xi32, #tpu.memory_space<hbm>>) dst(%arg5 : memref<50x512xi32, #tpu.memory_space<vmem>>)
    %dma_start3A_21 = arith.constant 0 : i32
    %dma_start3A_22 = arith.constant 0 : i32
    %dma_start3A_23 = tpu.memref_slice %arg5[%dma_start3A_21, %dma_start3A_22] : memref<50x512xi32, #tpu.memory_space<vmem>> -> memref<1x512xi32, #tpu.memory_space<vmem>>
    %dma_start3A_24 = tpu.memref_squeeze %dma_start3A_23 : memref<1x512xi32, #tpu.memory_space<vmem>> -> memref<512xi32, #tpu.memory_space<vmem>>
    %dma_start3A_25 = arith.constant 0 : i32
    %dma_start3A_26 = arith.constant 0 : i32
    %dma_start3A_27 = tpu.memref_slice %arg3[%dma_start3A_25, %dma_start3A_26] : memref<1000000x32xf32, #tpu.memory_space<hbm>> -> memref<1000000x32xf32, #tpu.memory_space<hbm>>
    tpu.enqueue_indirect_dma source(%dma_start3A_27 : memref<1000000x32xf32, #tpu.memory_space<hbm>>) target(%arg6 : memref<512x32xf32, #tpu.memory_space<vmem>>) offsets(%dma_start3A_24 : memref<512xi32, #tpu.memory_space<vmem>>) semaphore(%arg7 : memref<!tpu.dma_semaphore, #tpu.memory_space<semaphore_mem>>) {add = true}
    %dma_start3A_28 = arith.constant 1 : i32
    %dma_start3A_29 = arith.constant 0 : i32
    %dma_start3A_30 = tpu.memref_slice %arg5[%dma_start3A_28, %dma_start3A_29] : memref<50x512xi32, #tpu.memory_space<vmem>> -> memref<1x512xi32, #tpu.memory_space<vmem>>
    %dma_start3A_31 = tpu.memref_squeeze %dma_start3A_30 : memref<1x512xi32, #tpu.memory_space<vmem>> -> memref<512xi32, #tpu.memory_space<vmem>>
    %dma_start3A_32 = arith.constant 0 : i32
    %dma_start3A_33 = arith.constant 0 : i32
    %dma_start3A_34 = tpu.memref_slice %arg3[%dma_start3A_32, %dma_start3A_33] : memref<1000000x32xf32, #tpu.memory_space<hbm>> -> memref<1000000x32xf32, #tpu.memory_space<hbm>>
    tpu.enqueue_indirect_dma source(%dma_start3A_34 : memref<1000000x32xf32, #tpu.memory_space<hbm>>) target(%arg6 : memref<512x32xf32, #tpu.memory_space<vmem>>) offsets(%dma_start3A_31 : memref<512xi32, #tpu.memory_space<vmem>>) semaphore(%arg7 : memref<!tpu.dma_semaphore, #tpu.memory_space<semaphore_mem>>) {add = true}
    %dma_start3A_35 = arith.constant 2 : i32
    %dma_start3A_36 = arith.constant 0 : i32
    %dma_start3A_37 = tpu.memref_slice %arg5[%dma_start3A_35, %dma_start3A_36] : memref<50x512xi32, #tpu.memory_space<vmem>> -> memref<1x512xi32, #tpu.memory_space<vmem>>
    %dma_start3A_38 = tpu.memref_squeeze %dma_start3A_37 : memref<1x512xi32, #tpu.memory_space<vmem>> -> memref<512xi32, #tpu.memory_space<vmem>>
    %dma_start3A_39 = arith.constant 0 : i32
    %dma_start3A_40 = arith.constant 0 : i32
    %dma_start3A_41 = tpu.memref_slice %arg3[%dma_start3A_39, %dma_start3A_40] : memref<1000000x32xf32, #tpu.memory_space<hbm>> -> memref<1000000x32xf32, #tpu.memory_space<hbm>>
    tpu.enqueue_indirect_dma source(%dma_start3A_41 : memref<1000000x32xf32, #tpu.memory_space<hbm>>) target(%arg6 : memref<512x32xf32, #tpu.memory_space<vmem>>) offsets(%dma_start3A_38 : memref<512xi32, #tpu.memory_space<vmem>>) semaphore(%arg7 : memref<!tpu.dma_semaphore, #tpu.memory_space<semaphore_mem>>) {add = true}
    %dma_start3A_42 = arith.constant 3 : i32
    %dma_start3A_43 = arith.constant 0 : i32
    %dma_start3A_44 = tpu.memref_slice %arg5[%dma_start3A_42, %dma_start3A_43] : memref<50x512xi32, #tpu.memory_space<vmem>> -> memref<1x512xi32, #tpu.memory_space<vmem>>
    %dma_start3A_45 = tpu.memref_squeeze %dma_start3A_44 : memref<1x512xi32, #tpu.memory_space<vmem>> -> memref<512xi32, #tpu.memory_space<vmem>>
    %dma_start3A_46 = arith.constant 0 : i32
    %dma_start3A_47 = arith.constant 0 : i32
    %dma_start3A_48 = tpu.memref_slice %arg3[%dma_start3A_46, %dma_start3A_47] : memref<1000000x32xf32, #tpu.memory_space<hbm>> -> memref<1000000x32xf32, #tpu.memory_space<hbm>>
    tpu.enqueue_indirect_dma source(%dma_start3A_48 : memref<1000000x32xf32, #tpu.memory_space<hbm>>) target(%arg6 : memref<512x32xf32, #tpu.memory_space<vmem>>) offsets(%dma_start3A_45 : memref<512xi32, #tpu.memory_space<vmem>>) semaphore(%arg7 : memref<!tpu.dma_semaphore, #tpu.memory_space<semaphore_mem>>) {add = true}
    %dma_start3A_49 = arith.constant 4 : i32
    %dma_start3A_50 = arith.constant 0 : i32
    %dma_start3A_51 = tpu.memref_slice %arg5[%dma_start3A_49, %dma_start3A_50] : memref<50x512xi32, #tpu.memory_space<vmem>> -> memref<1x512xi32, #tpu.memory_space<vmem>>
    %dma_start3A_52 = tpu.memref_squeeze %dma_start3A_51 : memref<1x512xi32, #tpu.memory_space<vmem>> -> memref<512xi32, #tpu.memory_space<vmem>>
    %dma_start3A_53 = arith.constant 0 : i32
    %dma_start3A_54 = arith.constant 0 : i32
    %dma_start3A_55 = tpu.memref_slice %arg3[%dma_start3A_53, %dma_start3A_54] : memref<1000000x32xf32, #tpu.memory_space<hbm>> -> memref<1000000x32xf32, #tpu.memory_space<hbm>>
    tpu.enqueue_indirect_dma source(%dma_start3A_55 : memref<1000000x32xf32, #tpu.memory_space<hbm>>) target(%arg6 : memref<512x32xf32, #tpu.memory_space<vmem>>) offsets(%dma_start3A_52 : memref<512xi32, #tpu.memory_space<vmem>>) semaphore(%arg7 : memref<!tpu.dma_semaphore, #tpu.memory_space<semaphore_mem>>) {add = true}
    %dma_start3A_56 = arith.constant 5 : i32
    %dma_start3A_57 = arith.constant 0 : i32
    %dma_start3A_58 = tpu.memref_slice %arg5[%dma_start3A_56, %dma_start3A_57] : memref<50x512xi32, #tpu.memory_space<vmem>> -> memref<1x512xi32, #tpu.memory_space<vmem>>
    %dma_start3A_59 = tpu.memref_squeeze %dma_start3A_58 : memref<1x512xi32, #tpu.memory_space<vmem>> -> memref<512xi32, #tpu.memory_space<vmem>>
    %dma_start3A_60 = arith.constant 0 : i32
    %dma_start3A_61 = arith.constant 0 : i32
    %dma_start3A_62 = tpu.memref_slice %arg3[%dma_start3A_60, %dma_start3A_61] : memref<1000000x32xf32, #tpu.memory_space<hbm>> -> memref<1000000x32xf32, #tpu.memory_space<hbm>>
    tpu.enqueue_indirect_dma source(%dma_start3A_62 : memref<1000000x32xf32, #tpu.memory_space<hbm>>) target(%arg6 : memref<512x32xf32, #tpu.memory_space<vmem>>) offsets(%dma_start3A_59 : memref<512xi32, #tpu.memory_space<vmem>>) semaphore(%arg7 : memref<!tpu.dma_semaphore, #tpu.memory_space<semaphore_mem>>) {add = true}
    %dma_start3A_63 = arith.constant 6 : i32
    %dma_start3A_64 = arith.constant 0 : i32
    %dma_start3A_65 = tpu.memref_slice %arg5[%dma_start3A_63, %dma_start3A_64] : memref<50x512xi32, #tpu.memory_space<vmem>> -> memref<1x512xi32, #tpu.memory_space<vmem>>
    %dma_start3A_66 = tpu.memref_squeeze %dma_start3A_65 : memref<1x512xi32, #tpu.memory_space<vmem>> -> memref<512xi32, #tpu.memory_space<vmem>>
    %dma_start3A_67 = arith.constant 0 : i32
    %dma_start3A_68 = arith.constant 0 : i32
    %dma_start3A_69 = tpu.memref_slice %arg3[%dma_start3A_67, %dma_start3A_68] : memref<1000000x32xf32, #tpu.memory_space<hbm>> -> memref<1000000x32xf32, #tpu.memory_space<hbm>>
    tpu.enqueue_indirect_dma source(%dma_start3A_69 : memref<1000000x32xf32, #tpu.memory_space<hbm>>) target(%arg6 : memref<512x32xf32, #tpu.memory_space<vmem>>) offsets(%dma_start3A_66 : memref<512xi32, #tpu.memory_space<vmem>>) semaphore(%arg7 : memref<!tpu.dma_semaphore, #tpu.memory_space<semaphore_mem>>) {add = true}
    %dma_start3A_70 = arith.constant 7 : i32
    %dma_start3A_71 = arith.constant 0 : i32
    %dma_start3A_72 = tpu.memref_slice %arg5[%dma_start3A_70, %dma_start3A_71] : memref<50x512xi32, #tpu.memory_space<vmem>> -> memref<1x512xi32, #tpu.memory_space<vmem>>
    %dma_start3A_73 = tpu.memref_squeeze %dma_start3A_72 : memref<1x512xi32, #tpu.memory_space<vmem>> -> memref<512xi32, #tpu.memory_space<vmem>>
    %dma_start3A_74 = arith.constant 0 : i32
    %dma_start3A_75 = arith.constant 0 : i32
    %dma_start3A_76 = tpu.memref_slice %arg3[%dma_start3A_74, %dma_start3A_75] : memref<1000000x32xf32, #tpu.memory_space<hbm>> -> memref<1000000x32xf32, #tpu.memory_space<hbm>>
    tpu.enqueue_indirect_dma source(%dma_start3A_76 : memref<1000000x32xf32, #tpu.memory_space<hbm>>) target(%arg6 : memref<512x32xf32, #tpu.memory_space<vmem>>) offsets(%dma_start3A_73 : memref<512xi32, #tpu.memory_space<vmem>>) semaphore(%arg7 : memref<!tpu.dma_semaphore, #tpu.memory_space<semaphore_mem>>) {add = true}
    %dma_start3A_77 = arith.constant 8 : i32
    %dma_start3A_78 = arith.constant 0 : i32
    %dma_start3A_79 = tpu.memref_slice %arg5[%dma_start3A_77, %dma_start3A_78] : memref<50x512xi32, #tpu.memory_space<vmem>> -> memref<1x512xi32, #tpu.memory_space<vmem>>
    %dma_start3A_80 = tpu.memref_squeeze %dma_start3A_79 : memref<1x512xi32, #tpu.memory_space<vmem>> -> memref<512xi32, #tpu.memory_space<vmem>>
    %dma_start3A_81 = arith.constant 0 : i32
    %dma_start3A_82 = arith.constant 0 : i32
    %dma_start3A_83 = tpu.memref_slice %arg3[%dma_start3A_81, %dma_start3A_82] : memref<1000000x32xf32, #tpu.memory_space<hbm>> -> memref<1000000x32xf32, #tpu.memory_space<hbm>>
    tpu.enqueue_indirect_dma source(%dma_start3A_83 : memref<1000000x32xf32, #tpu.memory_space<hbm>>) target(%arg6 : memref<512x32xf32, #tpu.memory_space<vmem>>) offsets(%dma_start3A_80 : memref<512xi32, #tpu.memory_space<vmem>>) semaphore(%arg7 : memref<!tpu.dma_semaphore, #tpu.memory_space<semaphore_mem>>) {add = true}
    %dma_start3A_84 = arith.constant 9 : i32
    %dma_start3A_85 = arith.constant 0 : i32
    %dma_start3A_86 = tpu.memref_slice %arg5[%dma_start3A_84, %dma_start3A_85] : memref<50x512xi32, #tpu.memory_space<vmem>> -> memref<1x512xi32, #tpu.memory_space<vmem>>
    %dma_start3A_87 = tpu.memref_squeeze %dma_start3A_86 : memref<1x512xi32, #tpu.memory_space<vmem>> -> memref<512xi32, #tpu.memory_space<vmem>>
    %dma_start3A_88 = arith.constant 0 : i32
    %dma_start3A_89 = arith.constant 0 : i32
    %dma_start3A_90 = tpu.memref_slice %arg3[%dma_start3A_88, %dma_start3A_89] : memref<1000000x32xf32, #tpu.memory_space<hbm>> -> memref<1000000x32xf32, #tpu.memory_space<hbm>>
    tpu.enqueue_indirect_dma source(%dma_start3A_90 : memref<1000000x32xf32, #tpu.memory_space<hbm>>) target(%arg6 : memref<512x32xf32, #tpu.memory_space<vmem>>) offsets(%dma_start3A_87 : memref<512xi32, #tpu.memory_space<vmem>>) semaphore(%arg7 : memref<!tpu.dma_semaphore, #tpu.memory_space<semaphore_mem>>) {add = true}
    %dma_start3A_91 = arith.constant 10 : i32
    %dma_start3A_92 = arith.constant 0 : i32
    %dma_start3A_93 = tpu.memref_slice %arg5[%dma_start3A_91, %dma_start3A_92] : memref<50x512xi32, #tpu.memory_space<vmem>> -> memref<1x512xi32, #tpu.memory_space<vmem>>
    %dma_start3A_94 = tpu.memref_squeeze %dma_start3A_93 : memref<1x512xi32, #tpu.memory_space<vmem>> -> memref<512xi32, #tpu.memory_space<vmem>>
    %dma_start3A_95 = arith.constant 0 : i32
    %dma_start3A_96 = arith.constant 0 : i32
    %dma_start3A_97 = tpu.memref_slice %arg3[%dma_start3A_95, %dma_start3A_96] : memref<1000000x32xf32, #tpu.memory_space<hbm>> -> memref<1000000x32xf32, #tpu.memory_space<hbm>>
    tpu.enqueue_indirect_dma source(%dma_start3A_97 : memref<1000000x32xf32, #tpu.memory_space<hbm>>) target(%arg6 : memref<512x32xf32, #tpu.memory_space<vmem>>) offsets(%dma_start3A_94 : memref<512xi32, #tpu.memory_space<vmem>>) semaphore(%arg7 : memref<!tpu.dma_semaphore, #tpu.memory_space<semaphore_mem>>) {add = true}
    %dma_start3A_98 = arith.constant 11 : i32
    %dma_start3A_99 = arith.constant 0 : i32
    %dma_start3A_100 = tpu.memref_slice %arg5[%dma_start3A_98, %dma_start3A_99] : memref<50x512xi32, #tpu.memory_space<vmem>> -> memref<1x512xi32, #tpu.memory_space<vmem>>
    %dma_start3A_101 = tpu.memref_squeeze %dma_start3A_100 : memref<1x512xi32, #tpu.memory_space<vmem>> -> memref<512xi32, #tpu.memory_space<vmem>>
    %dma_start3A_102 = arith.constant 0 : i32
    %dma_start3A_103 = arith.constant 0 : i32
    %dma_start3A_104 = tpu.memref_slice %arg3[%dma_start3A_102, %dma_start3A_103] : memref<1000000x32xf32, #tpu.memory_space<hbm>> -> memref<1000000x32xf32, #tpu.memory_space<hbm>>
    tpu.enqueue_indirect_dma source(%dma_start3A_104 : memref<1000000x32xf32, #tpu.memory_space<hbm>>) target(%arg6 : memref<512x32xf32, #tpu.memory_space<vmem>>) offsets(%dma_start3A_101 : memref<512xi32, #tpu.memory_space<vmem>>) semaphore(%arg7 : memref<!tpu.dma_semaphore, #tpu.memory_space<semaphore_mem>>) {add = true}
    %dma_start3A_105 = arith.constant 12 : i32
    %dma_start3A_106 = arith.constant 0 : i32
    %dma_start3A_107 = tpu.memref_slice %arg5[%dma_start3A_105, %dma_start3A_106] : memref<50x512xi32, #tpu.memory_space<vmem>> -> memref<1x512xi32, #tpu.memory_space<vmem>>
    %dma_start3A_108 = tpu.memref_squeeze %dma_start3A_107 : memref<1x512xi32, #tpu.memory_space<vmem>> -> memref<512xi32, #tpu.memory_space<vmem>>
    %dma_start3A_109 = arith.constant 0 : i32
    %dma_start3A_110 = arith.constant 0 : i32
    %dma_start3A_111 = tpu.memref_slice %arg3[%dma_start3A_109, %dma_start3A_110] : memref<1000000x32xf32, #tpu.memory_space<hbm>> -> memref<1000000x32xf32, #tpu.memory_space<hbm>>
    tpu.enqueue_indirect_dma source(%dma_start3A_111 : memref<1000000x32xf32, #tpu.memory_space<hbm>>) target(%arg6 : memref<512x32xf32, #tpu.memory_space<vmem>>) offsets(%dma_start3A_108 : memref<512xi32, #tpu.memory_space<vmem>>) semaphore(%arg7 : memref<!tpu.dma_semaphore, #tpu.memory_space<semaphore_mem>>) {add = true}
    %dma_start3A_112 = arith.constant 13 : i32
    %dma_start3A_113 = arith.constant 0 : i32
    %dma_start3A_114 = tpu.memref_slice %arg5[%dma_start3A_112, %dma_start3A_113] : memref<50x512xi32, #tpu.memory_space<vmem>> -> memref<1x512xi32, #tpu.memory_space<vmem>>
    %dma_start3A_115 = tpu.memref_squeeze %dma_start3A_114 : memref<1x512xi32, #tpu.memory_space<vmem>> -> memref<512xi32, #tpu.memory_space<vmem>>
    %dma_start3A_116 = arith.constant 0 : i32
    %dma_start3A_117 = arith.constant 0 : i32
    %dma_start3A_118 = tpu.memref_slice %arg3[%dma_start3A_116, %dma_start3A_117] : memref<1000000x32xf32, #tpu.memory_space<hbm>> -> memref<1000000x32xf32, #tpu.memory_space<hbm>>
    tpu.enqueue_indirect_dma source(%dma_start3A_118 : memref<1000000x32xf32, #tpu.memory_space<hbm>>) target(%arg6 : memref<512x32xf32, #tpu.memory_space<vmem>>) offsets(%dma_start3A_115 : memref<512xi32, #tpu.memory_space<vmem>>) semaphore(%arg7 : memref<!tpu.dma_semaphore, #tpu.memory_space<semaphore_mem>>) {add = true}
    %dma_start3A_119 = arith.constant 14 : i32
    %dma_start3A_120 = arith.constant 0 : i32
    %dma_start3A_121 = tpu.memref_slice %arg5[%dma_start3A_119, %dma_start3A_120] : memref<50x512xi32, #tpu.memory_space<vmem>> -> memref<1x512xi32, #tpu.memory_space<vmem>>
    %dma_start3A_122 = tpu.memref_squeeze %dma_start3A_121 : memref<1x512xi32, #tpu.memory_space<vmem>> -> memref<512xi32, #tpu.memory_space<vmem>>
    %dma_start3A_123 = arith.constant 0 : i32
    %dma_start3A_124 = arith.constant 0 : i32
    %dma_start3A_125 = tpu.memref_slice %arg3[%dma_start3A_123, %dma_start3A_124] : memref<1000000x32xf32, #tpu.memory_space<hbm>> -> memref<1000000x32xf32, #tpu.memory_space<hbm>>
    tpu.enqueue_indirect_dma source(%dma_start3A_125 : memref<1000000x32xf32, #tpu.memory_space<hbm>>) target(%arg6 : memref<512x32xf32, #tpu.memory_space<vmem>>) offsets(%dma_start3A_122 : memref<512xi32, #tpu.memory_space<vmem>>) semaphore(%arg7 : memref<!tpu.dma_semaphore, #tpu.memory_space<semaphore_mem>>) {add = true}
    %dma_start3A_126 = arith.constant 15 : i32
    %dma_start3A_127 = arith.constant 0 : i32
    %dma_start3A_128 = tpu.memref_slice %arg5[%dma_start3A_126, %dma_start3A_127] : memref<50x512xi32, #tpu.memory_space<vmem>> -> memref<1x512xi32, #tpu.memory_space<vmem>>
    %dma_start3A_129 = tpu.memref_squeeze %dma_start3A_128 : memref<1x512xi32, #tpu.memory_space<vmem>> -> memref<512xi32, #tpu.memory_space<vmem>>
    %dma_start3A_130 = arith.constant 0 : i32
    %dma_start3A_131 = arith.constant 0 : i32
    %dma_start3A_132 = tpu.memref_slice %arg3[%dma_start3A_130, %dma_start3A_131] : memref<1000000x32xf32, #tpu.memory_space<hbm>> -> memref<1000000x32xf32, #tpu.memory_space<hbm>>
    tpu.enqueue_indirect_dma source(%dma_start3A_132 : memref<1000000x32xf32, #tpu.memory_space<hbm>>) target(%arg6 : memref<512x32xf32, #tpu.memory_space<vmem>>) offsets(%dma_start3A_129 : memref<512xi32, #tpu.memory_space<vmem>>) semaphore(%arg7 : memref<!tpu.dma_semaphore, #tpu.memory_space<semaphore_mem>>) {add = true}
    %dma_start3A_133 = arith.constant 16 : i32
    %dma_start3A_134 = arith.constant 0 : i32
    %dma_start3A_135 = tpu.memref_slice %arg5[%dma_start3A_133, %dma_start3A_134] : memref<50x512xi32, #tpu.memory_space<vmem>> -> memref<1x512xi32, #tpu.memory_space<vmem>>
    %dma_start3A_136 = tpu.memref_squeeze %dma_start3A_135 : memref<1x512xi32, #tpu.memory_space<vmem>> -> memref<512xi32, #tpu.memory_space<vmem>>
    %dma_start3A_137 = arith.constant 0 : i32
    %dma_start3A_138 = arith.constant 0 : i32
    %dma_start3A_139 = tpu.memref_slice %arg3[%dma_start3A_137, %dma_start3A_138] : memref<1000000x32xf32, #tpu.memory_space<hbm>> -> memref<1000000x32xf32, #tpu.memory_space<hbm>>
    tpu.enqueue_indirect_dma source(%dma_start3A_139 : memref<1000000x32xf32, #tpu.memory_space<hbm>>) target(%arg6 : memref<512x32xf32, #tpu.memory_space<vmem>>) offsets(%dma_start3A_136 : memref<512xi32, #tpu.memory_space<vmem>>) semaphore(%arg7 : memref<!tpu.dma_semaphore, #tpu.memory_space<semaphore_mem>>) {add = true}
    %dma_start3A_140 = arith.constant 17 : i32
    %dma_start3A_141 = arith.constant 0 : i32
    %dma_start3A_142 = tpu.memref_slice %arg5[%dma_start3A_140, %dma_start3A_141] : memref<50x512xi32, #tpu.memory_space<vmem>> -> memref<1x512xi32, #tpu.memory_space<vmem>>
    %dma_start3A_143 = tpu.memref_squeeze %dma_start3A_142 : memref<1x512xi32, #tpu.memory_space<vmem>> -> memref<512xi32, #tpu.memory_space<vmem>>
    %dma_start3A_144 = arith.constant 0 : i32
    %dma_start3A_145 = arith.constant 0 : i32
    %dma_start3A_146 = tpu.memref_slice %arg3[%dma_start3A_144, %dma_start3A_145] : memref<1000000x32xf32, #tpu.memory_space<hbm>> -> memref<1000000x32xf32, #tpu.memory_space<hbm>>
    tpu.enqueue_indirect_dma source(%dma_start3A_146 : memref<1000000x32xf32, #tpu.memory_space<hbm>>) target(%arg6 : memref<512x32xf32, #tpu.memory_space<vmem>>) offsets(%dma_start3A_143 : memref<512xi32, #tpu.memory_space<vmem>>) semaphore(%arg7 : memref<!tpu.dma_semaphore, #tpu.memory_space<semaphore_mem>>) {add = true}
    %dma_start3A_147 = arith.constant 18 : i32
    %dma_start3A_148 = arith.constant 0 : i32
    %dma_start3A_149 = tpu.memref_slice %arg5[%dma_start3A_147, %dma_start3A_148] : memref<50x512xi32, #tpu.memory_space<vmem>> -> memref<1x512xi32, #tpu.memory_space<vmem>>
    %dma_start3A_150 = tpu.memref_squeeze %dma_start3A_149 : memref<1x512xi32, #tpu.memory_space<vmem>> -> memref<512xi32, #tpu.memory_space<vmem>>
    %dma_start3A_151 = arith.constant 0 : i32
    %dma_start3A_152 = arith.constant 0 : i32
    %dma_start3A_153 = tpu.memref_slice %arg3[%dma_start3A_151, %dma_start3A_152] : memref<1000000x32xf32, #tpu.memory_space<hbm>> -> memref<1000000x32xf32, #tpu.memory_space<hbm>>
    tpu.enqueue_indirect_dma source(%dma_start3A_153 : memref<1000000x32xf32, #tpu.memory_space<hbm>>) target(%arg6 : memref<512x32xf32, #tpu.memory_space<vmem>>) offsets(%dma_start3A_150 : memref<512xi32, #tpu.memory_space<vmem>>) semaphore(%arg7 : memref<!tpu.dma_semaphore, #tpu.memory_space<semaphore_mem>>) {add = true}
    %dma_start3A_154 = arith.constant 19 : i32
    %dma_start3A_155 = arith.constant 0 : i32
    %dma_start3A_156 = tpu.memref_slice %arg5[%dma_start3A_154, %dma_start3A_155] : memref<50x512xi32, #tpu.memory_space<vmem>> -> memref<1x512xi32, #tpu.memory_space<vmem>>
    %dma_start3A_157 = tpu.memref_squeeze %dma_start3A_156 : memref<1x512xi32, #tpu.memory_space<vmem>> -> memref<512xi32, #tpu.memory_space<vmem>>
    %dma_start3A_158 = arith.constant 0 : i32
    %dma_start3A_159 = arith.constant 0 : i32
    %dma_start3A_160 = tpu.memref_slice %arg3[%dma_start3A_158, %dma_start3A_159] : memref<1000000x32xf32, #tpu.memory_space<hbm>> -> memref<1000000x32xf32, #tpu.memory_space<hbm>>
    tpu.enqueue_indirect_dma source(%dma_start3A_160 : memref<1000000x32xf32, #tpu.memory_space<hbm>>) target(%arg6 : memref<512x32xf32, #tpu.memory_space<vmem>>) offsets(%dma_start3A_157 : memref<512xi32, #tpu.memory_space<vmem>>) semaphore(%arg7 : memref<!tpu.dma_semaphore, #tpu.memory_space<semaphore_mem>>) {add = true}
    %dma_start3A_161 = arith.constant 20 : i32
    %dma_start3A_162 = arith.constant 0 : i32
    %dma_start3A_163 = tpu.memref_slice %arg5[%dma_start3A_161, %dma_start3A_162] : memref<50x512xi32, #tpu.memory_space<vmem>> -> memref<1x512xi32, #tpu.memory_space<vmem>>
    %dma_start3A_164 = tpu.memref_squeeze %dma_start3A_163 : memref<1x512xi32, #tpu.memory_space<vmem>> -> memref<512xi32, #tpu.memory_space<vmem>>
    %dma_start3A_165 = arith.constant 0 : i32
    %dma_start3A_166 = arith.constant 0 : i32
    %dma_start3A_167 = tpu.memref_slice %arg3[%dma_start3A_165, %dma_start3A_166] : memref<1000000x32xf32, #tpu.memory_space<hbm>> -> memref<1000000x32xf32, #tpu.memory_space<hbm>>
    tpu.enqueue_indirect_dma source(%dma_start3A_167 : memref<1000000x32xf32, #tpu.memory_space<hbm>>) target(%arg6 : memref<512x32xf32, #tpu.memory_space<vmem>>) offsets(%dma_start3A_164 : memref<512xi32, #tpu.memory_space<vmem>>) semaphore(%arg7 : memref<!tpu.dma_semaphore, #tpu.memory_space<semaphore_mem>>) {add = true}
    %dma_start3A_168 = arith.constant 21 : i32
    %dma_start3A_169 = arith.constant 0 : i32
    %dma_start3A_170 = tpu.memref_slice %arg5[%dma_start3A_168, %dma_start3A_169] : memref<50x512xi32, #tpu.memory_space<vmem>> -> memref<1x512xi32, #tpu.memory_space<vmem>>
    %dma_start3A_171 = tpu.memref_squeeze %dma_start3A_170 : memref<1x512xi32, #tpu.memory_space<vmem>> -> memref<512xi32, #tpu.memory_space<vmem>>
    %dma_start3A_172 = arith.constant 0 : i32
    %dma_start3A_173 = arith.constant 0 : i32
    %dma_start3A_174 = tpu.memref_slice %arg3[%dma_start3A_172, %dma_start3A_173] : memref<1000000x32xf32, #tpu.memory_space<hbm>> -> memref<1000000x32xf32, #tpu.memory_space<hbm>>
    tpu.enqueue_indirect_dma source(%dma_start3A_174 : memref<1000000x32xf32, #tpu.memory_space<hbm>>) target(%arg6 : memref<512x32xf32, #tpu.memory_space<vmem>>) offsets(%dma_start3A_171 : memref<512xi32, #tpu.memory_space<vmem>>) semaphore(%arg7 : memref<!tpu.dma_semaphore, #tpu.memory_space<semaphore_mem>>) {add = true}
    %dma_start3A_175 = arith.constant 22 : i32
    %dma_start3A_176 = arith.constant 0 : i32
    %dma_start3A_177 = tpu.memref_slice %arg5[%dma_start3A_175, %dma_start3A_176] : memref<50x512xi32, #tpu.memory_space<vmem>> -> memref<1x512xi32, #tpu.memory_space<vmem>>
    %dma_start3A_178 = tpu.memref_squeeze %dma_start3A_177 : memref<1x512xi32, #tpu.memory_space<vmem>> -> memref<512xi32, #tpu.memory_space<vmem>>
    %dma_start3A_179 = arith.constant 0 : i32
    %dma_start3A_180 = arith.constant 0 : i32
    %dma_start3A_181 = tpu.memref_slice %arg3[%dma_start3A_179, %dma_start3A_180] : memref<1000000x32xf32, #tpu.memory_space<hbm>> -> memref<1000000x32xf32, #tpu.memory_space<hbm>>
    tpu.enqueue_indirect_dma source(%dma_start3A_181 : memref<1000000x32xf32, #tpu.memory_space<hbm>>) target(%arg6 : memref<512x32xf32, #tpu.memory_space<vmem>>) offsets(%dma_start3A_178 : memref<512xi32, #tpu.memory_space<vmem>>) semaphore(%arg7 : memref<!tpu.dma_semaphore, #tpu.memory_space<semaphore_mem>>) {add = true}
    %dma_start3A_182 = arith.constant 23 : i32
    %dma_start3A_183 = arith.constant 0 : i32
    %dma_start3A_184 = tpu.memref_slice %arg5[%dma_start3A_182, %dma_start3A_183] : memref<50x512xi32, #tpu.memory_space<vmem>> -> memref<1x512xi32, #tpu.memory_space<vmem>>
    %dma_start3A_185 = tpu.memref_squeeze %dma_start3A_184 : memref<1x512xi32, #tpu.memory_space<vmem>> -> memref<512xi32, #tpu.memory_space<vmem>>
    %dma_start3A_186 = arith.constant 0 : i32
    %dma_start3A_187 = arith.constant 0 : i32
    %dma_start3A_188 = tpu.memref_slice %arg3[%dma_start3A_186, %dma_start3A_187] : memref<1000000x32xf32, #tpu.memory_space<hbm>> -> memref<1000000x32xf32, #tpu.memory_space<hbm>>
    tpu.enqueue_indirect_dma source(%dma_start3A_188 : memref<1000000x32xf32, #tpu.memory_space<hbm>>) target(%arg6 : memref<512x32xf32, #tpu.memory_space<vmem>>) offsets(%dma_start3A_185 : memref<512xi32, #tpu.memory_space<vmem>>) semaphore(%arg7 : memref<!tpu.dma_semaphore, #tpu.memory_space<semaphore_mem>>) {add = true}
    %dma_start3A_189 = arith.constant 24 : i32
    %dma_start3A_190 = arith.constant 0 : i32
    %dma_start3A_191 = tpu.memref_slice %arg5[%dma_start3A_189, %dma_start3A_190] : memref<50x512xi32, #tpu.memory_space<vmem>> -> memref<1x512xi32, #tpu.memory_space<vmem>>
    %dma_start3A_192 = tpu.memref_squeeze %dma_start3A_191 : memref<1x512xi32, #tpu.memory_space<vmem>> -> memref<512xi32, #tpu.memory_space<vmem>>
    %dma_start3A_193 = arith.constant 0 : i32
    %dma_start3A_194 = arith.constant 0 : i32
    %dma_start3A_195 = tpu.memref_slice %arg3[%dma_start3A_193, %dma_start3A_194] : memref<1000000x32xf32, #tpu.memory_space<hbm>> -> memref<1000000x32xf32, #tpu.memory_space<hbm>>
    tpu.enqueue_indirect_dma source(%dma_start3A_195 : memref<1000000x32xf32, #tpu.memory_space<hbm>>) target(%arg6 : memref<512x32xf32, #tpu.memory_space<vmem>>) offsets(%dma_start3A_192 : memref<512xi32, #tpu.memory_space<vmem>>) semaphore(%arg7 : memref<!tpu.dma_semaphore, #tpu.memory_space<semaphore_mem>>) {add = true}
    %dma_start3A_196 = arith.constant 25 : i32
    %dma_start3A_197 = arith.constant 0 : i32
    %dma_start3A_198 = tpu.memref_slice %arg5[%dma_start3A_196, %dma_start3A_197] : memref<50x512xi32, #tpu.memory_space<vmem>> -> memref<1x512xi32, #tpu.memory_space<vmem>>
    %dma_start3A_199 = tpu.memref_squeeze %dma_start3A_198 : memref<1x512xi32, #tpu.memory_space<vmem>> -> memref<512xi32, #tpu.memory_space<vmem>>
    %dma_start3A_200 = arith.constant 0 : i32
    %dma_start3A_201 = arith.constant 0 : i32
    %dma_start3A_202 = tpu.memref_slice %arg3[%dma_start3A_200, %dma_start3A_201] : memref<1000000x32xf32, #tpu.memory_space<hbm>> -> memref<1000000x32xf32, #tpu.memory_space<hbm>>
    tpu.enqueue_indirect_dma source(%dma_start3A_202 : memref<1000000x32xf32, #tpu.memory_space<hbm>>) target(%arg6 : memref<512x32xf32, #tpu.memory_space<vmem>>) offsets(%dma_start3A_199 : memref<512xi32, #tpu.memory_space<vmem>>) semaphore(%arg7 : memref<!tpu.dma_semaphore, #tpu.memory_space<semaphore_mem>>) {add = true}
    %dma_start3A_203 = arith.constant 26 : i32
    %dma_start3A_204 = arith.constant 0 : i32
    %dma_start3A_205 = tpu.memref_slice %arg5[%dma_start3A_203, %dma_start3A_204] : memref<50x512xi32, #tpu.memory_space<vmem>> -> memref<1x512xi32, #tpu.memory_space<vmem>>
    %dma_start3A_206 = tpu.memref_squeeze %dma_start3A_205 : memref<1x512xi32, #tpu.memory_space<vmem>> -> memref<512xi32, #tpu.memory_space<vmem>>
    %dma_start3A_207 = arith.constant 0 : i32
    %dma_start3A_208 = arith.constant 0 : i32
    %dma_start3A_209 = tpu.memref_slice %arg3[%dma_start3A_207, %dma_start3A_208] : memref<1000000x32xf32, #tpu.memory_space<hbm>> -> memref<1000000x32xf32, #tpu.memory_space<hbm>>
    tpu.enqueue_indirect_dma source(%dma_start3A_209 : memref<1000000x32xf32, #tpu.memory_space<hbm>>) target(%arg6 : memref<512x32xf32, #tpu.memory_space<vmem>>) offsets(%dma_start3A_206 : memref<512xi32, #tpu.memory_space<vmem>>) semaphore(%arg7 : memref<!tpu.dma_semaphore, #tpu.memory_space<semaphore_mem>>) {add = true}
    %dma_start3A_210 = arith.constant 27 : i32
    %dma_start3A_211 = arith.constant 0 : i32
    %dma_start3A_212 = tpu.memref_slice %arg5[%dma_start3A_210, %dma_start3A_211] : memref<50x512xi32, #tpu.memory_space<vmem>> -> memref<1x512xi32, #tpu.memory_space<vmem>>
    %dma_start3A_213 = tpu.memref_squeeze %dma_start3A_212 : memref<1x512xi32, #tpu.memory_space<vmem>> -> memref<512xi32, #tpu.memory_space<vmem>>
    %dma_start3A_214 = arith.constant 0 : i32
    %dma_start3A_215 = arith.constant 0 : i32
    %dma_start3A_216 = tpu.memref_slice %arg3[%dma_start3A_214, %dma_start3A_215] : memref<1000000x32xf32, #tpu.memory_space<hbm>> -> memref<1000000x32xf32, #tpu.memory_space<hbm>>
    tpu.enqueue_indirect_dma source(%dma_start3A_216 : memref<1000000x32xf32, #tpu.memory_space<hbm>>) target(%arg6 : memref<512x32xf32, #tpu.memory_space<vmem>>) offsets(%dma_start3A_213 : memref<512xi32, #tpu.memory_space<vmem>>) semaphore(%arg7 : memref<!tpu.dma_semaphore, #tpu.memory_space<semaphore_mem>>) {add = true}
    %dma_start3A_217 = arith.constant 28 : i32
    %dma_start3A_218 = arith.constant 0 : i32
    %dma_start3A_219 = tpu.memref_slice %arg5[%dma_start3A_217, %dma_start3A_218] : memref<50x512xi32, #tpu.memory_space<vmem>> -> memref<1x512xi32, #tpu.memory_space<vmem>>
    %dma_start3A_220 = tpu.memref_squeeze %dma_start3A_219 : memref<1x512xi32, #tpu.memory_space<vmem>> -> memref<512xi32, #tpu.memory_space<vmem>>
    %dma_start3A_221 = arith.constant 0 : i32
    %dma_start3A_222 = arith.constant 0 : i32
    %dma_start3A_223 = tpu.memref_slice %arg3[%dma_start3A_221, %dma_start3A_222] : memref<1000000x32xf32, #tpu.memory_space<hbm>> -> memref<1000000x32xf32, #tpu.memory_space<hbm>>
    tpu.enqueue_indirect_dma source(%dma_start3A_223 : memref<1000000x32xf32, #tpu.memory_space<hbm>>) target(%arg6 : memref<512x32xf32, #tpu.memory_space<vmem>>) offsets(%dma_start3A_220 : memref<512xi32, #tpu.memory_space<vmem>>) semaphore(%arg7 : memref<!tpu.dma_semaphore, #tpu.memory_space<semaphore_mem>>) {add = true}
    %dma_start3A_224 = arith.constant 29 : i32
    %dma_start3A_225 = arith.constant 0 : i32
    %dma_start3A_226 = tpu.memref_slice %arg5[%dma_start3A_224, %dma_start3A_225] : memref<50x512xi32, #tpu.memory_space<vmem>> -> memref<1x512xi32, #tpu.memory_space<vmem>>
    %dma_start3A_227 = tpu.memref_squeeze %dma_start3A_226 : memref<1x512xi32, #tpu.memory_space<vmem>> -> memref<512xi32, #tpu.memory_space<vmem>>
    %dma_start3A_228 = arith.constant 0 : i32
    %dma_start3A_229 = arith.constant 0 : i32
    %dma_start3A_230 = tpu.memref_slice %arg3[%dma_start3A_228, %dma_start3A_229] : memref<1000000x32xf32, #tpu.memory_space<hbm>> -> memref<1000000x32xf32, #tpu.memory_space<hbm>>
    tpu.enqueue_indirect_dma source(%dma_start3A_230 : memref<1000000x32xf32, #tpu.memory_space<hbm>>) target(%arg6 : memref<512x32xf32, #tpu.memory_space<vmem>>) offsets(%dma_start3A_227 : memref<512xi32, #tpu.memory_space<vmem>>) semaphore(%arg7 : memref<!tpu.dma_semaphore, #tpu.memory_space<semaphore_mem>>) {add = true}
    %dma_start3A_231 = arith.constant 30 : i32
    %dma_start3A_232 = arith.constant 0 : i32
    %dma_start3A_233 = tpu.memref_slice %arg5[%dma_start3A_231, %dma_start3A_232] : memref<50x512xi32, #tpu.memory_space<vmem>> -> memref<1x512xi32, #tpu.memory_space<vmem>>
    %dma_start3A_234 = tpu.memref_squeeze %dma_start3A_233 : memref<1x512xi32, #tpu.memory_space<vmem>> -> memref<512xi32, #tpu.memory_space<vmem>>
    %dma_start3A_235 = arith.constant 0 : i32
    %dma_start3A_236 = arith.constant 0 : i32
    %dma_start3A_237 = tpu.memref_slice %arg3[%dma_start3A_235, %dma_start3A_236] : memref<1000000x32xf32, #tpu.memory_space<hbm>> -> memref<1000000x32xf32, #tpu.memory_space<hbm>>
    tpu.enqueue_indirect_dma source(%dma_start3A_237 : memref<1000000x32xf32, #tpu.memory_space<hbm>>) target(%arg6 : memref<512x32xf32, #tpu.memory_space<vmem>>) offsets(%dma_start3A_234 : memref<512xi32, #tpu.memory_space<vmem>>) semaphore(%arg7 : memref<!tpu.dma_semaphore, #tpu.memory_space<semaphore_mem>>) {add = true}
    %dma_start3A_238 = arith.constant 31 : i32
    %dma_start3A_239 = arith.constant 0 : i32
    %dma_start3A_240 = tpu.memref_slice %arg5[%dma_start3A_238, %dma_start3A_239] : memref<50x512xi32, #tpu.memory_space<vmem>> -> memref<1x512xi32, #tpu.memory_space<vmem>>
    %dma_start3A_241 = tpu.memref_squeeze %dma_start3A_240 : memref<1x512xi32, #tpu.memory_space<vmem>> -> memref<512xi32, #tpu.memory_space<vmem>>
    %dma_start3A_242 = arith.constant 0 : i32
    %dma_start3A_243 = arith.constant 0 : i32
    %dma_start3A_244 = tpu.memref_slice %arg3[%dma_start3A_242, %dma_start3A_243] : memref<1000000x32xf32, #tpu.memory_space<hbm>> -> memref<1000000x32xf32, #tpu.memory_space<hbm>>
    tpu.enqueue_indirect_dma source(%dma_start3A_244 : memref<1000000x32xf32, #tpu.memory_space<hbm>>) target(%arg6 : memref<512x32xf32, #tpu.memory_space<vmem>>) offsets(%dma_start3A_241 : memref<512xi32, #tpu.memory_space<vmem>>) semaphore(%arg7 : memref<!tpu.dma_semaphore, #tpu.memory_space<semaphore_mem>>) {add = true}
    %dma_start3A_245 = arith.constant 32 : i32
    %dma_start3A_246 = arith.constant 0 : i32
    %dma_start3A_247 = tpu.memref_slice %arg5[%dma_start3A_245, %dma_start3A_246] : memref<50x512xi32, #tpu.memory_space<vmem>> -> memref<1x512xi32, #tpu.memory_space<vmem>>
    %dma_start3A_248 = tpu.memref_squeeze %dma_start3A_247 : memref<1x512xi32, #tpu.memory_space<vmem>> -> memref<512xi32, #tpu.memory_space<vmem>>
    %dma_start3A_249 = arith.constant 0 : i32
    %dma_start3A_250 = arith.constant 0 : i32
    %dma_start3A_251 = tpu.memref_slice %arg3[%dma_start3A_249, %dma_start3A_250] : memref<1000000x32xf32, #tpu.memory_space<hbm>> -> memref<1000000x32xf32, #tpu.memory_space<hbm>>
    tpu.enqueue_indirect_dma source(%dma_start3A_251 : memref<1000000x32xf32, #tpu.memory_space<hbm>>) target(%arg6 : memref<512x32xf32, #tpu.memory_space<vmem>>) offsets(%dma_start3A_248 : memref<512xi32, #tpu.memory_space<vmem>>) semaphore(%arg7 : memref<!tpu.dma_semaphore, #tpu.memory_space<semaphore_mem>>) {add = true}
    %dma_start3A_252 = arith.constant 33 : i32
    %dma_start3A_253 = arith.constant 0 : i32
    %dma_start3A_254 = tpu.memref_slice %arg5[%dma_start3A_252, %dma_start3A_253] : memref<50x512xi32, #tpu.memory_space<vmem>> -> memref<1x512xi32, #tpu.memory_space<vmem>>
    %dma_start3A_255 = tpu.memref_squeeze %dma_start3A_254 : memref<1x512xi32, #tpu.memory_space<vmem>> -> memref<512xi32, #tpu.memory_space<vmem>>
    %dma_start3A_256 = arith.constant 0 : i32
    %dma_start3A_257 = arith.constant 0 : i32
    %dma_start3A_258 = tpu.memref_slice %arg3[%dma_start3A_256, %dma_start3A_257] : memref<1000000x32xf32, #tpu.memory_space<hbm>> -> memref<1000000x32xf32, #tpu.memory_space<hbm>>
    tpu.enqueue_indirect_dma source(%dma_start3A_258 : memref<1000000x32xf32, #tpu.memory_space<hbm>>) target(%arg6 : memref<512x32xf32, #tpu.memory_space<vmem>>) offsets(%dma_start3A_255 : memref<512xi32, #tpu.memory_space<vmem>>) semaphore(%arg7 : memref<!tpu.dma_semaphore, #tpu.memory_space<semaphore_mem>>) {add = true}
    %dma_start3A_259 = arith.constant 34 : i32
    %dma_start3A_260 = arith.constant 0 : i32
    %dma_start3A_261 = tpu.memref_slice %arg5[%dma_start3A_259, %dma_start3A_260] : memref<50x512xi32, #tpu.memory_space<vmem>> -> memref<1x512xi32, #tpu.memory_space<vmem>>
    %dma_start3A_262 = tpu.memref_squeeze %dma_start3A_261 : memref<1x512xi32, #tpu.memory_space<vmem>> -> memref<512xi32, #tpu.memory_space<vmem>>
    %dma_start3A_263 = arith.constant 0 : i32
    %dma_start3A_264 = arith.constant 0 : i32
    %dma_start3A_265 = tpu.memref_slice %arg3[%dma_start3A_263, %dma_start3A_264] : memref<1000000x32xf32, #tpu.memory_space<hbm>> -> memref<1000000x32xf32, #tpu.memory_space<hbm>>
    tpu.enqueue_indirect_dma source(%dma_start3A_265 : memref<1000000x32xf32, #tpu.memory_space<hbm>>) target(%arg6 : memref<512x32xf32, #tpu.memory_space<vmem>>) offsets(%dma_start3A_262 : memref<512xi32, #tpu.memory_space<vmem>>) semaphore(%arg7 : memref<!tpu.dma_semaphore, #tpu.memory_space<semaphore_mem>>) {add = true}
    %dma_start3A_266 = arith.constant 35 : i32
    %dma_start3A_267 = arith.constant 0 : i32
    %dma_start3A_268 = tpu.memref_slice %arg5[%dma_start3A_266, %dma_start3A_267] : memref<50x512xi32, #tpu.memory_space<vmem>> -> memref<1x512xi32, #tpu.memory_space<vmem>>
    %dma_start3A_269 = tpu.memref_squeeze %dma_start3A_268 : memref<1x512xi32, #tpu.memory_space<vmem>> -> memref<512xi32, #tpu.memory_space<vmem>>
    %dma_start3A_270 = arith.constant 0 : i32
    %dma_start3A_271 = arith.constant 0 : i32
    %dma_start3A_272 = tpu.memref_slice %arg3[%dma_start3A_270, %dma_start3A_271] : memref<1000000x32xf32, #tpu.memory_space<hbm>> -> memref<1000000x32xf32, #tpu.memory_space<hbm>>
    tpu.enqueue_indirect_dma source(%dma_start3A_272 : memref<1000000x32xf32, #tpu.memory_space<hbm>>) target(%arg6 : memref<512x32xf32, #tpu.memory_space<vmem>>) offsets(%dma_start3A_269 : memref<512xi32, #tpu.memory_space<vmem>>) semaphore(%arg7 : memref<!tpu.dma_semaphore, #tpu.memory_space<semaphore_mem>>) {add = true}
    %dma_start3A_273 = arith.constant 36 : i32
    %dma_start3A_274 = arith.constant 0 : i32
    %dma_start3A_275 = tpu.memref_slice %arg5[%dma_start3A_273, %dma_start3A_274] : memref<50x512xi32, #tpu.memory_space<vmem>> -> memref<1x512xi32, #tpu.memory_space<vmem>>
    %dma_start3A_276 = tpu.memref_squeeze %dma_start3A_275 : memref<1x512xi32, #tpu.memory_space<vmem>> -> memref<512xi32, #tpu.memory_space<vmem>>
    %dma_start3A_277 = arith.constant 0 : i32
    %dma_start3A_278 = arith.constant 0 : i32
    %dma_start3A_279 = tpu.memref_slice %arg3[%dma_start3A_277, %dma_start3A_278] : memref<1000000x32xf32, #tpu.memory_space<hbm>> -> memref<1000000x32xf32, #tpu.memory_space<hbm>>
    tpu.enqueue_indirect_dma source(%dma_start3A_279 : memref<1000000x32xf32, #tpu.memory_space<hbm>>) target(%arg6 : memref<512x32xf32, #tpu.memory_space<vmem>>) offsets(%dma_start3A_276 : memref<512xi32, #tpu.memory_space<vmem>>) semaphore(%arg7 : memref<!tpu.dma_semaphore, #tpu.memory_space<semaphore_mem>>) {add = true}
    %dma_start3A_280 = arith.constant 37 : i32
    %dma_start3A_281 = arith.constant 0 : i32
    %dma_start3A_282 = tpu.memref_slice %arg5[%dma_start3A_280, %dma_start3A_281] : memref<50x512xi32, #tpu.memory_space<vmem>> -> memref<1x512xi32, #tpu.memory_space<vmem>>
    %dma_start3A_283 = tpu.memref_squeeze %dma_start3A_282 : memref<1x512xi32, #tpu.memory_space<vmem>> -> memref<512xi32, #tpu.memory_space<vmem>>
    %dma_start3A_284 = arith.constant 0 : i32
    %dma_start3A_285 = arith.constant 0 : i32
    %dma_start3A_286 = tpu.memref_slice %arg3[%dma_start3A_284, %dma_start3A_285] : memref<1000000x32xf32, #tpu.memory_space<hbm>> -> memref<1000000x32xf32, #tpu.memory_space<hbm>>
    tpu.enqueue_indirect_dma source(%dma_start3A_286 : memref<1000000x32xf32, #tpu.memory_space<hbm>>) target(%arg6 : memref<512x32xf32, #tpu.memory_space<vmem>>) offsets(%dma_start3A_283 : memref<512xi32, #tpu.memory_space<vmem>>) semaphore(%arg7 : memref<!tpu.dma_semaphore, #tpu.memory_space<semaphore_mem>>) {add = true}
    %dma_start3A_287 = arith.constant 38 : i32
    %dma_start3A_288 = arith.constant 0 : i32
    %dma_start3A_289 = tpu.memref_slice %arg5[%dma_start3A_287, %dma_start3A_288] : memref<50x512xi32, #tpu.memory_space<vmem>> -> memref<1x512xi32, #tpu.memory_space<vmem>>
    %dma_start3A_290 = tpu.memref_squeeze %dma_start3A_289 : memref<1x512xi32, #tpu.memory_space<vmem>> -> memref<512xi32, #tpu.memory_space<vmem>>
    %dma_start3A_291 = arith.constant 0 : i32
    %dma_start3A_292 = arith.constant 0 : i32
    %dma_start3A_293 = tpu.memref_slice %arg3[%dma_start3A_291, %dma_start3A_292] : memref<1000000x32xf32, #tpu.memory_space<hbm>> -> memref<1000000x32xf32, #tpu.memory_space<hbm>>
    tpu.enqueue_indirect_dma source(%dma_start3A_293 : memref<1000000x32xf32, #tpu.memory_space<hbm>>) target(%arg6 : memref<512x32xf32, #tpu.memory_space<vmem>>) offsets(%dma_start3A_290 : memref<512xi32, #tpu.memory_space<vmem>>) semaphore(%arg7 : memref<!tpu.dma_semaphore, #tpu.memory_space<semaphore_mem>>) {add = true}
    %dma_start3A_294 = arith.constant 39 : i32
    %dma_start3A_295 = arith.constant 0 : i32
    %dma_start3A_296 = tpu.memref_slice %arg5[%dma_start3A_294, %dma_start3A_295] : memref<50x512xi32, #tpu.memory_space<vmem>> -> memref<1x512xi32, #tpu.memory_space<vmem>>
    %dma_start3A_297 = tpu.memref_squeeze %dma_start3A_296 : memref<1x512xi32, #tpu.memory_space<vmem>> -> memref<512xi32, #tpu.memory_space<vmem>>
    %dma_start3A_298 = arith.constant 0 : i32
    %dma_start3A_299 = arith.constant 0 : i32
    %dma_start3A_300 = tpu.memref_slice %arg3[%dma_start3A_298, %dma_start3A_299] : memref<1000000x32xf32, #tpu.memory_space<hbm>> -> memref<1000000x32xf32, #tpu.memory_space<hbm>>
    tpu.enqueue_indirect_dma source(%dma_start3A_300 : memref<1000000x32xf32, #tpu.memory_space<hbm>>) target(%arg6 : memref<512x32xf32, #tpu.memory_space<vmem>>) offsets(%dma_start3A_297 : memref<512xi32, #tpu.memory_space<vmem>>) semaphore(%arg7 : memref<!tpu.dma_semaphore, #tpu.memory_space<semaphore_mem>>) {add = true}
    %dma_start3A_301 = arith.constant 40 : i32
    %dma_start3A_302 = arith.constant 0 : i32
    %dma_start3A_303 = tpu.memref_slice %arg5[%dma_start3A_301, %dma_start3A_302] : memref<50x512xi32, #tpu.memory_space<vmem>> -> memref<1x512xi32, #tpu.memory_space<vmem>>
    %dma_start3A_304 = tpu.memref_squeeze %dma_start3A_303 : memref<1x512xi32, #tpu.memory_space<vmem>> -> memref<512xi32, #tpu.memory_space<vmem>>
    %dma_start3A_305 = arith.constant 0 : i32
    %dma_start3A_306 = arith.constant 0 : i32
    %dma_start3A_307 = tpu.memref_slice %arg3[%dma_start3A_305, %dma_start3A_306] : memref<1000000x32xf32, #tpu.memory_space<hbm>> -> memref<1000000x32xf32, #tpu.memory_space<hbm>>
    tpu.enqueue_indirect_dma source(%dma_start3A_307 : memref<1000000x32xf32, #tpu.memory_space<hbm>>) target(%arg6 : memref<512x32xf32, #tpu.memory_space<vmem>>) offsets(%dma_start3A_304 : memref<512xi32, #tpu.memory_space<vmem>>) semaphore(%arg7 : memref<!tpu.dma_semaphore, #tpu.memory_space<semaphore_mem>>) {add = true}
    %dma_start3A_308 = arith.constant 41 : i32
    %dma_start3A_309 = arith.constant 0 : i32
    %dma_start3A_310 = tpu.memref_slice %arg5[%dma_start3A_308, %dma_start3A_309] : memref<50x512xi32, #tpu.memory_space<vmem>> -> memref<1x512xi32, #tpu.memory_space<vmem>>
    %dma_start3A_311 = tpu.memref_squeeze %dma_start3A_310 : memref<1x512xi32, #tpu.memory_space<vmem>> -> memref<512xi32, #tpu.memory_space<vmem>>
    %dma_start3A_312 = arith.constant 0 : i32
    %dma_start3A_313 = arith.constant 0 : i32
    %dma_start3A_314 = tpu.memref_slice %arg3[%dma_start3A_312, %dma_start3A_313] : memref<1000000x32xf32, #tpu.memory_space<hbm>> -> memref<1000000x32xf32, #tpu.memory_space<hbm>>
    tpu.enqueue_indirect_dma source(%dma_start3A_314 : memref<1000000x32xf32, #tpu.memory_space<hbm>>) target(%arg6 : memref<512x32xf32, #tpu.memory_space<vmem>>) offsets(%dma_start3A_311 : memref<512xi32, #tpu.memory_space<vmem>>) semaphore(%arg7 : memref<!tpu.dma_semaphore, #tpu.memory_space<semaphore_mem>>) {add = true}
    %dma_start3A_315 = arith.constant 42 : i32
    %dma_start3A_316 = arith.constant 0 : i32
    %dma_start3A_317 = tpu.memref_slice %arg5[%dma_start3A_315, %dma_start3A_316] : memref<50x512xi32, #tpu.memory_space<vmem>> -> memref<1x512xi32, #tpu.memory_space<vmem>>
    %dma_start3A_318 = tpu.memref_squeeze %dma_start3A_317 : memref<1x512xi32, #tpu.memory_space<vmem>> -> memref<512xi32, #tpu.memory_space<vmem>>
    %dma_start3A_319 = arith.constant 0 : i32
    %dma_start3A_320 = arith.constant 0 : i32
    %dma_start3A_321 = tpu.memref_slice %arg3[%dma_start3A_319, %dma_start3A_320] : memref<1000000x32xf32, #tpu.memory_space<hbm>> -> memref<1000000x32xf32, #tpu.memory_space<hbm>>
    tpu.enqueue_indirect_dma source(%dma_start3A_321 : memref<1000000x32xf32, #tpu.memory_space<hbm>>) target(%arg6 : memref<512x32xf32, #tpu.memory_space<vmem>>) offsets(%dma_start3A_318 : memref<512xi32, #tpu.memory_space<vmem>>) semaphore(%arg7 : memref<!tpu.dma_semaphore, #tpu.memory_space<semaphore_mem>>) {add = true}
    %dma_start3A_322 = arith.constant 43 : i32
    %dma_start3A_323 = arith.constant 0 : i32
    %dma_start3A_324 = tpu.memref_slice %arg5[%dma_start3A_322, %dma_start3A_323] : memref<50x512xi32, #tpu.memory_space<vmem>> -> memref<1x512xi32, #tpu.memory_space<vmem>>
    %dma_start3A_325 = tpu.memref_squeeze %dma_start3A_324 : memref<1x512xi32, #tpu.memory_space<vmem>> -> memref<512xi32, #tpu.memory_space<vmem>>
    %dma_start3A_326 = arith.constant 0 : i32
    %dma_start3A_327 = arith.constant 0 : i32
    %dma_start3A_328 = tpu.memref_slice %arg3[%dma_start3A_326, %dma_start3A_327] : memref<1000000x32xf32, #tpu.memory_space<hbm>> -> memref<1000000x32xf32, #tpu.memory_space<hbm>>
    tpu.enqueue_indirect_dma source(%dma_start3A_328 : memref<1000000x32xf32, #tpu.memory_space<hbm>>) target(%arg6 : memref<512x32xf32, #tpu.memory_space<vmem>>) offsets(%dma_start3A_325 : memref<512xi32, #tpu.memory_space<vmem>>) semaphore(%arg7 : memref<!tpu.dma_semaphore, #tpu.memory_space<semaphore_mem>>) {add = true}
    %dma_start3A_329 = arith.constant 44 : i32
    %dma_start3A_330 = arith.constant 0 : i32
    %dma_start3A_331 = tpu.memref_slice %arg5[%dma_start3A_329, %dma_start3A_330] : memref<50x512xi32, #tpu.memory_space<vmem>> -> memref<1x512xi32, #tpu.memory_space<vmem>>
    %dma_start3A_332 = tpu.memref_squeeze %dma_start3A_331 : memref<1x512xi32, #tpu.memory_space<vmem>> -> memref<512xi32, #tpu.memory_space<vmem>>
    %dma_start3A_333 = arith.constant 0 : i32
    %dma_start3A_334 = arith.constant 0 : i32
    %dma_start3A_335 = tpu.memref_slice %arg3[%dma_start3A_333, %dma_start3A_334] : memref<1000000x32xf32, #tpu.memory_space<hbm>> -> memref<1000000x32xf32, #tpu.memory_space<hbm>>
    tpu.enqueue_indirect_dma source(%dma_start3A_335 : memref<1000000x32xf32, #tpu.memory_space<hbm>>) target(%arg6 : memref<512x32xf32, #tpu.memory_space<vmem>>) offsets(%dma_start3A_332 : memref<512xi32, #tpu.memory_space<vmem>>) semaphore(%arg7 : memref<!tpu.dma_semaphore, #tpu.memory_space<semaphore_mem>>) {add = true}
    %dma_start3A_336 = arith.constant 45 : i32
    %dma_start3A_337 = arith.constant 0 : i32
    %dma_start3A_338 = tpu.memref_slice %arg5[%dma_start3A_336, %dma_start3A_337] : memref<50x512xi32, #tpu.memory_space<vmem>> -> memref<1x512xi32, #tpu.memory_space<vmem>>
    %dma_start3A_339 = tpu.memref_squeeze %dma_start3A_338 : memref<1x512xi32, #tpu.memory_space<vmem>> -> memref<512xi32, #tpu.memory_space<vmem>>
    %dma_start3A_340 = arith.constant 0 : i32
    %dma_start3A_341 = arith.constant 0 : i32
    %dma_start3A_342 = tpu.memref_slice %arg3[%dma_start3A_340, %dma_start3A_341] : memref<1000000x32xf32, #tpu.memory_space<hbm>> -> memref<1000000x32xf32, #tpu.memory_space<hbm>>
    tpu.enqueue_indirect_dma source(%dma_start3A_342 : memref<1000000x32xf32, #tpu.memory_space<hbm>>) target(%arg6 : memref<512x32xf32, #tpu.memory_space<vmem>>) offsets(%dma_start3A_339 : memref<512xi32, #tpu.memory_space<vmem>>) semaphore(%arg7 : memref<!tpu.dma_semaphore, #tpu.memory_space<semaphore_mem>>) {add = true}
    %dma_start3A_343 = arith.constant 46 : i32
    %dma_start3A_344 = arith.constant 0 : i32
    %dma_start3A_345 = tpu.memref_slice %arg5[%dma_start3A_343, %dma_start3A_344] : memref<50x512xi32, #tpu.memory_space<vmem>> -> memref<1x512xi32, #tpu.memory_space<vmem>>
    %dma_start3A_346 = tpu.memref_squeeze %dma_start3A_345 : memref<1x512xi32, #tpu.memory_space<vmem>> -> memref<512xi32, #tpu.memory_space<vmem>>
    %dma_start3A_347 = arith.constant 0 : i32
    %dma_start3A_348 = arith.constant 0 : i32
    %dma_start3A_349 = tpu.memref_slice %arg3[%dma_start3A_347, %dma_start3A_348] : memref<1000000x32xf32, #tpu.memory_space<hbm>> -> memref<1000000x32xf32, #tpu.memory_space<hbm>>
    tpu.enqueue_indirect_dma source(%dma_start3A_349 : memref<1000000x32xf32, #tpu.memory_space<hbm>>) target(%arg6 : memref<512x32xf32, #tpu.memory_space<vmem>>) offsets(%dma_start3A_346 : memref<512xi32, #tpu.memory_space<vmem>>) semaphore(%arg7 : memref<!tpu.dma_semaphore, #tpu.memory_space<semaphore_mem>>) {add = true}
    %dma_start3A_350 = arith.constant 47 : i32
    %dma_start3A_351 = arith.constant 0 : i32
    %dma_start3A_352 = tpu.memref_slice %arg5[%dma_start3A_350, %dma_start3A_351] : memref<50x512xi32, #tpu.memory_space<vmem>> -> memref<1x512xi32, #tpu.memory_space<vmem>>
    %dma_start3A_353 = tpu.memref_squeeze %dma_start3A_352 : memref<1x512xi32, #tpu.memory_space<vmem>> -> memref<512xi32, #tpu.memory_space<vmem>>
    %dma_start3A_354 = arith.constant 0 : i32
    %dma_start3A_355 = arith.constant 0 : i32
    %dma_start3A_356 = tpu.memref_slice %arg3[%dma_start3A_354, %dma_start3A_355] : memref<1000000x32xf32, #tpu.memory_space<hbm>> -> memref<1000000x32xf32, #tpu.memory_space<hbm>>
    tpu.enqueue_indirect_dma source(%dma_start3A_356 : memref<1000000x32xf32, #tpu.memory_space<hbm>>) target(%arg6 : memref<512x32xf32, #tpu.memory_space<vmem>>) offsets(%dma_start3A_353 : memref<512xi32, #tpu.memory_space<vmem>>) semaphore(%arg7 : memref<!tpu.dma_semaphore, #tpu.memory_space<semaphore_mem>>) {add = true}
    %dma_start3A_357 = arith.constant 48 : i32
    %dma_start3A_358 = arith.constant 0 : i32
    %dma_start3A_359 = tpu.memref_slice %arg5[%dma_start3A_357, %dma_start3A_358] : memref<50x512xi32, #tpu.memory_space<vmem>> -> memref<1x512xi32, #tpu.memory_space<vmem>>
    %dma_start3A_360 = tpu.memref_squeeze %dma_start3A_359 : memref<1x512xi32, #tpu.memory_space<vmem>> -> memref<512xi32, #tpu.memory_space<vmem>>
    %dma_start3A_361 = arith.constant 0 : i32
    %dma_start3A_362 = arith.constant 0 : i32
    %dma_start3A_363 = tpu.memref_slice %arg3[%dma_start3A_361, %dma_start3A_362] : memref<1000000x32xf32, #tpu.memory_space<hbm>> -> memref<1000000x32xf32, #tpu.memory_space<hbm>>
    tpu.enqueue_indirect_dma source(%dma_start3A_363 : memref<1000000x32xf32, #tpu.memory_space<hbm>>) target(%arg6 : memref<512x32xf32, #tpu.memory_space<vmem>>) offsets(%dma_start3A_360 : memref<512xi32, #tpu.memory_space<vmem>>) semaphore(%arg7 : memref<!tpu.dma_semaphore, #tpu.memory_space<semaphore_mem>>) {add = true}
    %dma_start3A_364 = arith.constant 49 : i32
    %dma_start3A_365 = arith.constant 0 : i32
    %dma_start3A_366 = tpu.memref_slice %arg5[%dma_start3A_364, %dma_start3A_365] : memref<50x512xi32, #tpu.memory_space<vmem>> -> memref<1x512xi32, #tpu.memory_space<vmem>>
    %dma_start3A_367 = tpu.memref_squeeze %dma_start3A_366 : memref<1x512xi32, #tpu.memory_space<vmem>> -> memref<512xi32, #tpu.memory_space<vmem>>
    %dma_start3A_368 = arith.constant 0 : i32
    %dma_start3A_369 = arith.constant 0 : i32
    %dma_start3A_370 = tpu.memref_slice %arg3[%dma_start3A_368, %dma_start3A_369] : memref<1000000x32xf32, #tpu.memory_space<hbm>> -> memref<1000000x32xf32, #tpu.memory_space<hbm>>
    tpu.enqueue_indirect_dma source(%dma_start3A_370 : memref<1000000x32xf32, #tpu.memory_space<hbm>>) target(%arg6 : memref<512x32xf32, #tpu.memory_space<vmem>>) offsets(%dma_start3A_367 : memref<512xi32, #tpu.memory_space<vmem>>) semaphore(%arg7 : memref<!tpu.dma_semaphore, #tpu.memory_space<semaphore_mem>>) {add = true}
    %dma_wait3A_371 = arith.constant 0 : i32
    %dma_wait3A_372 = arith.constant 0 : i32
    %dma_wait3A_373 = tpu.memref_slice %arg5[%dma_wait3A_371, %dma_wait3A_372] : memref<50x512xi32, #tpu.memory_space<vmem>> -> memref<1x512xi32, #tpu.memory_space<vmem>>
    %dma_wait3A_374 = tpu.memref_squeeze %dma_wait3A_373 : memref<1x512xi32, #tpu.memory_space<vmem>> -> memref<512xi32, #tpu.memory_space<vmem>>
    %dma_wait3A_375 = arith.constant 0 : i32
    %dma_wait3A_376 = arith.constant 0 : i32
    %dma_wait3A_377 = tpu.memref_slice %arg3[%dma_wait3A_375, %dma_wait3A_376] : memref<1000000x32xf32, #tpu.memory_space<hbm>> -> memref<1000000x32xf32, #tpu.memory_space<hbm>>
    tpu.wait_indirect_dma semaphore(%arg7 : memref<!tpu.dma_semaphore, #tpu.memory_space<semaphore_mem>>) src(%dma_wait3A_377 : memref<1000000x32xf32, #tpu.memory_space<hbm>>) dst(%arg6 : memref<512x32xf32, #tpu.memory_space<vmem>>)
    %dma_wait3A_378 = arith.constant 1 : i32
    %dma_wait3A_379 = arith.constant 0 : i32
    %dma_wait3A_380 = tpu.memref_slice %arg5[%dma_wait3A_378, %dma_wait3A_379] : memref<50x512xi32, #tpu.memory_space<vmem>> -> memref<1x512xi32, #tpu.memory_space<vmem>>
    %dma_wait3A_381 = tpu.memref_squeeze %dma_wait3A_380 : memref<1x512xi32, #tpu.memory_space<vmem>> -> memref<512xi32, #tpu.memory_space<vmem>>
    %dma_wait3A_382 = arith.constant 0 : i32
    %dma_wait3A_383 = arith.constant 0 : i32
    %dma_wait3A_384 = tpu.memref_slice %arg3[%dma_wait3A_382, %dma_wait3A_383] : memref<1000000x32xf32, #tpu.memory_space<hbm>> -> memref<1000000x32xf32, #tpu.memory_space<hbm>>
    tpu.wait_indirect_dma semaphore(%arg7 : memref<!tpu.dma_semaphore, #tpu.memory_space<semaphore_mem>>) src(%dma_wait3A_384 : memref<1000000x32xf32, #tpu.memory_space<hbm>>) dst(%arg6 : memref<512x32xf32, #tpu.memory_space<vmem>>)
    %dma_wait3A_385 = arith.constant 2 : i32
    %dma_wait3A_386 = arith.constant 0 : i32
    %dma_wait3A_387 = tpu.memref_slice %arg5[%dma_wait3A_385, %dma_wait3A_386] : memref<50x512xi32, #tpu.memory_space<vmem>> -> memref<1x512xi32, #tpu.memory_space<vmem>>
    %dma_wait3A_388 = tpu.memref_squeeze %dma_wait3A_387 : memref<1x512xi32, #tpu.memory_space<vmem>> -> memref<512xi32, #tpu.memory_space<vmem>>
    %dma_wait3A_389 = arith.constant 0 : i32
    %dma_wait3A_390 = arith.constant 0 : i32
    %dma_wait3A_391 = tpu.memref_slice %arg3[%dma_wait3A_389, %dma_wait3A_390] : memref<1000000x32xf32, #tpu.memory_space<hbm>> -> memref<1000000x32xf32, #tpu.memory_space<hbm>>
    tpu.wait_indirect_dma semaphore(%arg7 : memref<!tpu.dma_semaphore, #tpu.memory_space<semaphore_mem>>) src(%dma_wait3A_391 : memref<1000000x32xf32, #tpu.memory_space<hbm>>) dst(%arg6 : memref<512x32xf32, #tpu.memory_space<vmem>>)
    %dma_wait3A_392 = arith.constant 3 : i32
    %dma_wait3A_393 = arith.constant 0 : i32
    %dma_wait3A_394 = tpu.memref_slice %arg5[%dma_wait3A_392, %dma_wait3A_393] : memref<50x512xi32, #tpu.memory_space<vmem>> -> memref<1x512xi32, #tpu.memory_space<vmem>>
    %dma_wait3A_395 = tpu.memref_squeeze %dma_wait3A_394 : memref<1x512xi32, #tpu.memory_space<vmem>> -> memref<512xi32, #tpu.memory_space<vmem>>
    %dma_wait3A_396 = arith.constant 0 : i32
    %dma_wait3A_397 = arith.constant 0 : i32
    %dma_wait3A_398 = tpu.memref_slice %arg3[%dma_wait3A_396, %dma_wait3A_397] : memref<1000000x32xf32, #tpu.memory_space<hbm>> -> memref<1000000x32xf32, #tpu.memory_space<hbm>>
    tpu.wait_indirect_dma semaphore(%arg7 : memref<!tpu.dma_semaphore, #tpu.memory_space<semaphore_mem>>) src(%dma_wait3A_398 : memref<1000000x32xf32, #tpu.memory_space<hbm>>) dst(%arg6 : memref<512x32xf32, #tpu.memory_space<vmem>>)
    %dma_wait3A_399 = arith.constant 4 : i32
    %dma_wait3A_400 = arith.constant 0 : i32
    %dma_wait3A_401 = tpu.memref_slice %arg5[%dma_wait3A_399, %dma_wait3A_400] : memref<50x512xi32, #tpu.memory_space<vmem>> -> memref<1x512xi32, #tpu.memory_space<vmem>>
    %dma_wait3A_402 = tpu.memref_squeeze %dma_wait3A_401 : memref<1x512xi32, #tpu.memory_space<vmem>> -> memref<512xi32, #tpu.memory_space<vmem>>
    %dma_wait3A_403 = arith.constant 0 : i32
    %dma_wait3A_404 = arith.constant 0 : i32
    %dma_wait3A_405 = tpu.memref_slice %arg3[%dma_wait3A_403, %dma_wait3A_404] : memref<1000000x32xf32, #tpu.memory_space<hbm>> -> memref<1000000x32xf32, #tpu.memory_space<hbm>>
    tpu.wait_indirect_dma semaphore(%arg7 : memref<!tpu.dma_semaphore, #tpu.memory_space<semaphore_mem>>) src(%dma_wait3A_405 : memref<1000000x32xf32, #tpu.memory_space<hbm>>) dst(%arg6 : memref<512x32xf32, #tpu.memory_space<vmem>>)
    %dma_wait3A_406 = arith.constant 5 : i32
    %dma_wait3A_407 = arith.constant 0 : i32
    %dma_wait3A_408 = tpu.memref_slice %arg5[%dma_wait3A_406, %dma_wait3A_407] : memref<50x512xi32, #tpu.memory_space<vmem>> -> memref<1x512xi32, #tpu.memory_space<vmem>>
    %dma_wait3A_409 = tpu.memref_squeeze %dma_wait3A_408 : memref<1x512xi32, #tpu.memory_space<vmem>> -> memref<512xi32, #tpu.memory_space<vmem>>
    %dma_wait3A_410 = arith.constant 0 : i32
    %dma_wait3A_411 = arith.constant 0 : i32
    %dma_wait3A_412 = tpu.memref_slice %arg3[%dma_wait3A_410, %dma_wait3A_411] : memref<1000000x32xf32, #tpu.memory_space<hbm>> -> memref<1000000x32xf32, #tpu.memory_space<hbm>>
    tpu.wait_indirect_dma semaphore(%arg7 : memref<!tpu.dma_semaphore, #tpu.memory_space<semaphore_mem>>) src(%dma_wait3A_412 : memref<1000000x32xf32, #tpu.memory_space<hbm>>) dst(%arg6 : memref<512x32xf32, #tpu.memory_space<vmem>>)
    %dma_wait3A_413 = arith.constant 6 : i32
    %dma_wait3A_414 = arith.constant 0 : i32
    %dma_wait3A_415 = tpu.memref_slice %arg5[%dma_wait3A_413, %dma_wait3A_414] : memref<50x512xi32, #tpu.memory_space<vmem>> -> memref<1x512xi32, #tpu.memory_space<vmem>>
    %dma_wait3A_416 = tpu.memref_squeeze %dma_wait3A_415 : memref<1x512xi32, #tpu.memory_space<vmem>> -> memref<512xi32, #tpu.memory_space<vmem>>
    %dma_wait3A_417 = arith.constant 0 : i32
    %dma_wait3A_418 = arith.constant 0 : i32
    %dma_wait3A_419 = tpu.memref_slice %arg3[%dma_wait3A_417, %dma_wait3A_418] : memref<1000000x32xf32, #tpu.memory_space<hbm>> -> memref<1000000x32xf32, #tpu.memory_space<hbm>>
    tpu.wait_indirect_dma semaphore(%arg7 : memref<!tpu.dma_semaphore, #tpu.memory_space<semaphore_mem>>) src(%dma_wait3A_419 : memref<1000000x32xf32, #tpu.memory_space<hbm>>) dst(%arg6 : memref<512x32xf32, #tpu.memory_space<vmem>>)
    %dma_wait3A_420 = arith.constant 7 : i32
    %dma_wait3A_421 = arith.constant 0 : i32
    %dma_wait3A_422 = tpu.memref_slice %arg5[%dma_wait3A_420, %dma_wait3A_421] : memref<50x512xi32, #tpu.memory_space<vmem>> -> memref<1x512xi32, #tpu.memory_space<vmem>>
    %dma_wait3A_423 = tpu.memref_squeeze %dma_wait3A_422 : memref<1x512xi32, #tpu.memory_space<vmem>> -> memref<512xi32, #tpu.memory_space<vmem>>
    %dma_wait3A_424 = arith.constant 0 : i32
    %dma_wait3A_425 = arith.constant 0 : i32
    %dma_wait3A_426 = tpu.memref_slice %arg3[%dma_wait3A_424, %dma_wait3A_425] : memref<1000000x32xf32, #tpu.memory_space<hbm>> -> memref<1000000x32xf32, #tpu.memory_space<hbm>>
    tpu.wait_indirect_dma semaphore(%arg7 : memref<!tpu.dma_semaphore, #tpu.memory_space<semaphore_mem>>) src(%dma_wait3A_426 : memref<1000000x32xf32, #tpu.memory_space<hbm>>) dst(%arg6 : memref<512x32xf32, #tpu.memory_space<vmem>>)
    %dma_wait3A_427 = arith.constant 8 : i32
    %dma_wait3A_428 = arith.constant 0 : i32
    %dma_wait3A_429 = tpu.memref_slice %arg5[%dma_wait3A_427, %dma_wait3A_428] : memref<50x512xi32, #tpu.memory_space<vmem>> -> memref<1x512xi32, #tpu.memory_space<vmem>>
    %dma_wait3A_430 = tpu.memref_squeeze %dma_wait3A_429 : memref<1x512xi32, #tpu.memory_space<vmem>> -> memref<512xi32, #tpu.memory_space<vmem>>
    %dma_wait3A_431 = arith.constant 0 : i32
    %dma_wait3A_432 = arith.constant 0 : i32
    %dma_wait3A_433 = tpu.memref_slice %arg3[%dma_wait3A_431, %dma_wait3A_432] : memref<1000000x32xf32, #tpu.memory_space<hbm>> -> memref<1000000x32xf32, #tpu.memory_space<hbm>>
    tpu.wait_indirect_dma semaphore(%arg7 : memref<!tpu.dma_semaphore, #tpu.memory_space<semaphore_mem>>) src(%dma_wait3A_433 : memref<1000000x32xf32, #tpu.memory_space<hbm>>) dst(%arg6 : memref<512x32xf32, #tpu.memory_space<vmem>>)
    %dma_wait3A_434 = arith.constant 9 : i32
    %dma_wait3A_435 = arith.constant 0 : i32
    %dma_wait3A_436 = tpu.memref_slice %arg5[%dma_wait3A_434, %dma_wait3A_435] : memref<50x512xi32, #tpu.memory_space<vmem>> -> memref<1x512xi32, #tpu.memory_space<vmem>>
    %dma_wait3A_437 = tpu.memref_squeeze %dma_wait3A_436 : memref<1x512xi32, #tpu.memory_space<vmem>> -> memref<512xi32, #tpu.memory_space<vmem>>
    %dma_wait3A_438 = arith.constant 0 : i32
    %dma_wait3A_439 = arith.constant 0 : i32
    %dma_wait3A_440 = tpu.memref_slice %arg3[%dma_wait3A_438, %dma_wait3A_439] : memref<1000000x32xf32, #tpu.memory_space<hbm>> -> memref<1000000x32xf32, #tpu.memory_space<hbm>>
    tpu.wait_indirect_dma semaphore(%arg7 : memref<!tpu.dma_semaphore, #tpu.memory_space<semaphore_mem>>) src(%dma_wait3A_440 : memref<1000000x32xf32, #tpu.memory_space<hbm>>) dst(%arg6 : memref<512x32xf32, #tpu.memory_space<vmem>>)
    %dma_wait3A_441 = arith.constant 10 : i32
    %dma_wait3A_442 = arith.constant 0 : i32
    %dma_wait3A_443 = tpu.memref_slice %arg5[%dma_wait3A_441, %dma_wait3A_442] : memref<50x512xi32, #tpu.memory_space<vmem>> -> memref<1x512xi32, #tpu.memory_space<vmem>>
    %dma_wait3A_444 = tpu.memref_squeeze %dma_wait3A_443 : memref<1x512xi32, #tpu.memory_space<vmem>> -> memref<512xi32, #tpu.memory_space<vmem>>
    %dma_wait3A_445 = arith.constant 0 : i32
    %dma_wait3A_446 = arith.constant 0 : i32
    %dma_wait3A_447 = tpu.memref_slice %arg3[%dma_wait3A_445, %dma_wait3A_446] : memref<1000000x32xf32, #tpu.memory_space<hbm>> -> memref<1000000x32xf32, #tpu.memory_space<hbm>>
    tpu.wait_indirect_dma semaphore(%arg7 : memref<!tpu.dma_semaphore, #tpu.memory_space<semaphore_mem>>) src(%dma_wait3A_447 : memref<1000000x32xf32, #tpu.memory_space<hbm>>) dst(%arg6 : memref<512x32xf32, #tpu.memory_space<vmem>>)
    %dma_wait3A_448 = arith.constant 11 : i32
    %dma_wait3A_449 = arith.constant 0 : i32
    %dma_wait3A_450 = tpu.memref_slice %arg5[%dma_wait3A_448, %dma_wait3A_449] : memref<50x512xi32, #tpu.memory_space<vmem>> -> memref<1x512xi32, #tpu.memory_space<vmem>>
    %dma_wait3A_451 = tpu.memref_squeeze %dma_wait3A_450 : memref<1x512xi32, #tpu.memory_space<vmem>> -> memref<512xi32, #tpu.memory_space<vmem>>
    %dma_wait3A_452 = arith.constant 0 : i32
    %dma_wait3A_453 = arith.constant 0 : i32
    %dma_wait3A_454 = tpu.memref_slice %arg3[%dma_wait3A_452, %dma_wait3A_453] : memref<1000000x32xf32, #tpu.memory_space<hbm>> -> memref<1000000x32xf32, #tpu.memory_space<hbm>>
    tpu.wait_indirect_dma semaphore(%arg7 : memref<!tpu.dma_semaphore, #tpu.memory_space<semaphore_mem>>) src(%dma_wait3A_454 : memref<1000000x32xf32, #tpu.memory_space<hbm>>) dst(%arg6 : memref<512x32xf32, #tpu.memory_space<vmem>>)
    %dma_wait3A_455 = arith.constant 12 : i32
    %dma_wait3A_456 = arith.constant 0 : i32
    %dma_wait3A_457 = tpu.memref_slice %arg5[%dma_wait3A_455, %dma_wait3A_456] : memref<50x512xi32, #tpu.memory_space<vmem>> -> memref<1x512xi32, #tpu.memory_space<vmem>>
    %dma_wait3A_458 = tpu.memref_squeeze %dma_wait3A_457 : memref<1x512xi32, #tpu.memory_space<vmem>> -> memref<512xi32, #tpu.memory_space<vmem>>
    %dma_wait3A_459 = arith.constant 0 : i32
    %dma_wait3A_460 = arith.constant 0 : i32
    %dma_wait3A_461 = tpu.memref_slice %arg3[%dma_wait3A_459, %dma_wait3A_460] : memref<1000000x32xf32, #tpu.memory_space<hbm>> -> memref<1000000x32xf32, #tpu.memory_space<hbm>>
    tpu.wait_indirect_dma semaphore(%arg7 : memref<!tpu.dma_semaphore, #tpu.memory_space<semaphore_mem>>) src(%dma_wait3A_461 : memref<1000000x32xf32, #tpu.memory_space<hbm>>) dst(%arg6 : memref<512x32xf32, #tpu.memory_space<vmem>>)
    %dma_wait3A_462 = arith.constant 13 : i32
    %dma_wait3A_463 = arith.constant 0 : i32
    %dma_wait3A_464 = tpu.memref_slice %arg5[%dma_wait3A_462, %dma_wait3A_463] : memref<50x512xi32, #tpu.memory_space<vmem>> -> memref<1x512xi32, #tpu.memory_space<vmem>>
    %dma_wait3A_465 = tpu.memref_squeeze %dma_wait3A_464 : memref<1x512xi32, #tpu.memory_space<vmem>> -> memref<512xi32, #tpu.memory_space<vmem>>
    %dma_wait3A_466 = arith.constant 0 : i32
    %dma_wait3A_467 = arith.constant 0 : i32
    %dma_wait3A_468 = tpu.memref_slice %arg3[%dma_wait3A_466, %dma_wait3A_467] : memref<1000000x32xf32, #tpu.memory_space<hbm>> -> memref<1000000x32xf32, #tpu.memory_space<hbm>>
    tpu.wait_indirect_dma semaphore(%arg7 : memref<!tpu.dma_semaphore, #tpu.memory_space<semaphore_mem>>) src(%dma_wait3A_468 : memref<1000000x32xf32, #tpu.memory_space<hbm>>) dst(%arg6 : memref<512x32xf32, #tpu.memory_space<vmem>>)
    %dma_wait3A_469 = arith.constant 14 : i32
    %dma_wait3A_470 = arith.constant 0 : i32
    %dma_wait3A_471 = tpu.memref_slice %arg5[%dma_wait3A_469, %dma_wait3A_470] : memref<50x512xi32, #tpu.memory_space<vmem>> -> memref<1x512xi32, #tpu.memory_space<vmem>>
    %dma_wait3A_472 = tpu.memref_squeeze %dma_wait3A_471 : memref<1x512xi32, #tpu.memory_space<vmem>> -> memref<512xi32, #tpu.memory_space<vmem>>
    %dma_wait3A_473 = arith.constant 0 : i32
    %dma_wait3A_474 = arith.constant 0 : i32
    %dma_wait3A_475 = tpu.memref_slice %arg3[%dma_wait3A_473, %dma_wait3A_474] : memref<1000000x32xf32, #tpu.memory_space<hbm>> -> memref<1000000x32xf32, #tpu.memory_space<hbm>>
    tpu.wait_indirect_dma semaphore(%arg7 : memref<!tpu.dma_semaphore, #tpu.memory_space<semaphore_mem>>) src(%dma_wait3A_475 : memref<1000000x32xf32, #tpu.memory_space<hbm>>) dst(%arg6 : memref<512x32xf32, #tpu.memory_space<vmem>>)
    %dma_wait3A_476 = arith.constant 15 : i32
    %dma_wait3A_477 = arith.constant 0 : i32
    %dma_wait3A_478 = tpu.memref_slice %arg5[%dma_wait3A_476, %dma_wait3A_477] : memref<50x512xi32, #tpu.memory_space<vmem>> -> memref<1x512xi32, #tpu.memory_space<vmem>>
    %dma_wait3A_479 = tpu.memref_squeeze %dma_wait3A_478 : memref<1x512xi32, #tpu.memory_space<vmem>> -> memref<512xi32, #tpu.memory_space<vmem>>
    %dma_wait3A_480 = arith.constant 0 : i32
    %dma_wait3A_481 = arith.constant 0 : i32
    %dma_wait3A_482 = tpu.memref_slice %arg3[%dma_wait3A_480, %dma_wait3A_481] : memref<1000000x32xf32, #tpu.memory_space<hbm>> -> memref<1000000x32xf32, #tpu.memory_space<hbm>>
    tpu.wait_indirect_dma semaphore(%arg7 : memref<!tpu.dma_semaphore, #tpu.memory_space<semaphore_mem>>) src(%dma_wait3A_482 : memref<1000000x32xf32, #tpu.memory_space<hbm>>) dst(%arg6 : memref<512x32xf32, #tpu.memory_space<vmem>>)
    %dma_wait3A_483 = arith.constant 16 : i32
    %dma_wait3A_484 = arith.constant 0 : i32
    %dma_wait3A_485 = tpu.memref_slice %arg5[%dma_wait3A_483, %dma_wait3A_484] : memref<50x512xi32, #tpu.memory_space<vmem>> -> memref<1x512xi32, #tpu.memory_space<vmem>>
    %dma_wait3A_486 = tpu.memref_squeeze %dma_wait3A_485 : memref<1x512xi32, #tpu.memory_space<vmem>> -> memref<512xi32, #tpu.memory_space<vmem>>
    %dma_wait3A_487 = arith.constant 0 : i32
    %dma_wait3A_488 = arith.constant 0 : i32
    %dma_wait3A_489 = tpu.memref_slice %arg3[%dma_wait3A_487, %dma_wait3A_488] : memref<1000000x32xf32, #tpu.memory_space<hbm>> -> memref<1000000x32xf32, #tpu.memory_space<hbm>>
    tpu.wait_indirect_dma semaphore(%arg7 : memref<!tpu.dma_semaphore, #tpu.memory_space<semaphore_mem>>) src(%dma_wait3A_489 : memref<1000000x32xf32, #tpu.memory_space<hbm>>) dst(%arg6 : memref<512x32xf32, #tpu.memory_space<vmem>>)
    %dma_wait3A_490 = arith.constant 17 : i32
    %dma_wait3A_491 = arith.constant 0 : i32
    %dma_wait3A_492 = tpu.memref_slice %arg5[%dma_wait3A_490, %dma_wait3A_491] : memref<50x512xi32, #tpu.memory_space<vmem>> -> memref<1x512xi32, #tpu.memory_space<vmem>>
    %dma_wait3A_493 = tpu.memref_squeeze %dma_wait3A_492 : memref<1x512xi32, #tpu.memory_space<vmem>> -> memref<512xi32, #tpu.memory_space<vmem>>
    %dma_wait3A_494 = arith.constant 0 : i32
    %dma_wait3A_495 = arith.constant 0 : i32
    %dma_wait3A_496 = tpu.memref_slice %arg3[%dma_wait3A_494, %dma_wait3A_495] : memref<1000000x32xf32, #tpu.memory_space<hbm>> -> memref<1000000x32xf32, #tpu.memory_space<hbm>>
    tpu.wait_indirect_dma semaphore(%arg7 : memref<!tpu.dma_semaphore, #tpu.memory_space<semaphore_mem>>) src(%dma_wait3A_496 : memref<1000000x32xf32, #tpu.memory_space<hbm>>) dst(%arg6 : memref<512x32xf32, #tpu.memory_space<vmem>>)
    %dma_wait3A_497 = arith.constant 18 : i32
    %dma_wait3A_498 = arith.constant 0 : i32
    %dma_wait3A_499 = tpu.memref_slice %arg5[%dma_wait3A_497, %dma_wait3A_498] : memref<50x512xi32, #tpu.memory_space<vmem>> -> memref<1x512xi32, #tpu.memory_space<vmem>>
    %dma_wait3A_500 = tpu.memref_squeeze %dma_wait3A_499 : memref<1x512xi32, #tpu.memory_space<vmem>> -> memref<512xi32, #tpu.memory_space<vmem>>
    %dma_wait3A_501 = arith.constant 0 : i32
    %dma_wait3A_502 = arith.constant 0 : i32
    %dma_wait3A_503 = tpu.memref_slice %arg3[%dma_wait3A_501, %dma_wait3A_502] : memref<1000000x32xf32, #tpu.memory_space<hbm>> -> memref<1000000x32xf32, #tpu.memory_space<hbm>>
    tpu.wait_indirect_dma semaphore(%arg7 : memref<!tpu.dma_semaphore, #tpu.memory_space<semaphore_mem>>) src(%dma_wait3A_503 : memref<1000000x32xf32, #tpu.memory_space<hbm>>) dst(%arg6 : memref<512x32xf32, #tpu.memory_space<vmem>>)
    %dma_wait3A_504 = arith.constant 19 : i32
    %dma_wait3A_505 = arith.constant 0 : i32
    %dma_wait3A_506 = tpu.memref_slice %arg5[%dma_wait3A_504, %dma_wait3A_505] : memref<50x512xi32, #tpu.memory_space<vmem>> -> memref<1x512xi32, #tpu.memory_space<vmem>>
    %dma_wait3A_507 = tpu.memref_squeeze %dma_wait3A_506 : memref<1x512xi32, #tpu.memory_space<vmem>> -> memref<512xi32, #tpu.memory_space<vmem>>
    %dma_wait3A_508 = arith.constant 0 : i32
    %dma_wait3A_509 = arith.constant 0 : i32
    %dma_wait3A_510 = tpu.memref_slice %arg3[%dma_wait3A_508, %dma_wait3A_509] : memref<1000000x32xf32, #tpu.memory_space<hbm>> -> memref<1000000x32xf32, #tpu.memory_space<hbm>>
    tpu.wait_indirect_dma semaphore(%arg7 : memref<!tpu.dma_semaphore, #tpu.memory_space<semaphore_mem>>) src(%dma_wait3A_510 : memref<1000000x32xf32, #tpu.memory_space<hbm>>) dst(%arg6 : memref<512x32xf32, #tpu.memory_space<vmem>>)
    %dma_wait3A_511 = arith.constant 20 : i32
    %dma_wait3A_512 = arith.constant 0 : i32
    %dma_wait3A_513 = tpu.memref_slice %arg5[%dma_wait3A_511, %dma_wait3A_512] : memref<50x512xi32, #tpu.memory_space<vmem>> -> memref<1x512xi32, #tpu.memory_space<vmem>>
    %dma_wait3A_514 = tpu.memref_squeeze %dma_wait3A_513 : memref<1x512xi32, #tpu.memory_space<vmem>> -> memref<512xi32, #tpu.memory_space<vmem>>
    %dma_wait3A_515 = arith.constant 0 : i32
    %dma_wait3A_516 = arith.constant 0 : i32
    %dma_wait3A_517 = tpu.memref_slice %arg3[%dma_wait3A_515, %dma_wait3A_516] : memref<1000000x32xf32, #tpu.memory_space<hbm>> -> memref<1000000x32xf32, #tpu.memory_space<hbm>>
    tpu.wait_indirect_dma semaphore(%arg7 : memref<!tpu.dma_semaphore, #tpu.memory_space<semaphore_mem>>) src(%dma_wait3A_517 : memref<1000000x32xf32, #tpu.memory_space<hbm>>) dst(%arg6 : memref<512x32xf32, #tpu.memory_space<vmem>>)
    %dma_wait3A_518 = arith.constant 21 : i32
    %dma_wait3A_519 = arith.constant 0 : i32
    %dma_wait3A_520 = tpu.memref_slice %arg5[%dma_wait3A_518, %dma_wait3A_519] : memref<50x512xi32, #tpu.memory_space<vmem>> -> memref<1x512xi32, #tpu.memory_space<vmem>>
    %dma_wait3A_521 = tpu.memref_squeeze %dma_wait3A_520 : memref<1x512xi32, #tpu.memory_space<vmem>> -> memref<512xi32, #tpu.memory_space<vmem>>
    %dma_wait3A_522 = arith.constant 0 : i32
    %dma_wait3A_523 = arith.constant 0 : i32
    %dma_wait3A_524 = tpu.memref_slice %arg3[%dma_wait3A_522, %dma_wait3A_523] : memref<1000000x32xf32, #tpu.memory_space<hbm>> -> memref<1000000x32xf32, #tpu.memory_space<hbm>>
    tpu.wait_indirect_dma semaphore(%arg7 : memref<!tpu.dma_semaphore, #tpu.memory_space<semaphore_mem>>) src(%dma_wait3A_524 : memref<1000000x32xf32, #tpu.memory_space<hbm>>) dst(%arg6 : memref<512x32xf32, #tpu.memory_space<vmem>>)
    %dma_wait3A_525 = arith.constant 22 : i32
    %dma_wait3A_526 = arith.constant 0 : i32
    %dma_wait3A_527 = tpu.memref_slice %arg5[%dma_wait3A_525, %dma_wait3A_526] : memref<50x512xi32, #tpu.memory_space<vmem>> -> memref<1x512xi32, #tpu.memory_space<vmem>>
    %dma_wait3A_528 = tpu.memref_squeeze %dma_wait3A_527 : memref<1x512xi32, #tpu.memory_space<vmem>> -> memref<512xi32, #tpu.memory_space<vmem>>
    %dma_wait3A_529 = arith.constant 0 : i32
    %dma_wait3A_530 = arith.constant 0 : i32
    %dma_wait3A_531 = tpu.memref_slice %arg3[%dma_wait3A_529, %dma_wait3A_530] : memref<1000000x32xf32, #tpu.memory_space<hbm>> -> memref<1000000x32xf32, #tpu.memory_space<hbm>>
    tpu.wait_indirect_dma semaphore(%arg7 : memref<!tpu.dma_semaphore, #tpu.memory_space<semaphore_mem>>) src(%dma_wait3A_531 : memref<1000000x32xf32, #tpu.memory_space<hbm>>) dst(%arg6 : memref<512x32xf32, #tpu.memory_space<vmem>>)
    %dma_wait3A_532 = arith.constant 23 : i32
    %dma_wait3A_533 = arith.constant 0 : i32
    %dma_wait3A_534 = tpu.memref_slice %arg5[%dma_wait3A_532, %dma_wait3A_533] : memref<50x512xi32, #tpu.memory_space<vmem>> -> memref<1x512xi32, #tpu.memory_space<vmem>>
    %dma_wait3A_535 = tpu.memref_squeeze %dma_wait3A_534 : memref<1x512xi32, #tpu.memory_space<vmem>> -> memref<512xi32, #tpu.memory_space<vmem>>
    %dma_wait3A_536 = arith.constant 0 : i32
    %dma_wait3A_537 = arith.constant 0 : i32
    %dma_wait3A_538 = tpu.memref_slice %arg3[%dma_wait3A_536, %dma_wait3A_537] : memref<1000000x32xf32, #tpu.memory_space<hbm>> -> memref<1000000x32xf32, #tpu.memory_space<hbm>>
    tpu.wait_indirect_dma semaphore(%arg7 : memref<!tpu.dma_semaphore, #tpu.memory_space<semaphore_mem>>) src(%dma_wait3A_538 : memref<1000000x32xf32, #tpu.memory_space<hbm>>) dst(%arg6 : memref<512x32xf32, #tpu.memory_space<vmem>>)
    %dma_wait3A_539 = arith.constant 24 : i32
    %dma_wait3A_540 = arith.constant 0 : i32
    %dma_wait3A_541 = tpu.memref_slice %arg5[%dma_wait3A_539, %dma_wait3A_540] : memref<50x512xi32, #tpu.memory_space<vmem>> -> memref<1x512xi32, #tpu.memory_space<vmem>>
    %dma_wait3A_542 = tpu.memref_squeeze %dma_wait3A_541 : memref<1x512xi32, #tpu.memory_space<vmem>> -> memref<512xi32, #tpu.memory_space<vmem>>
    %dma_wait3A_543 = arith.constant 0 : i32
    %dma_wait3A_544 = arith.constant 0 : i32
    %dma_wait3A_545 = tpu.memref_slice %arg3[%dma_wait3A_543, %dma_wait3A_544] : memref<1000000x32xf32, #tpu.memory_space<hbm>> -> memref<1000000x32xf32, #tpu.memory_space<hbm>>
    tpu.wait_indirect_dma semaphore(%arg7 : memref<!tpu.dma_semaphore, #tpu.memory_space<semaphore_mem>>) src(%dma_wait3A_545 : memref<1000000x32xf32, #tpu.memory_space<hbm>>) dst(%arg6 : memref<512x32xf32, #tpu.memory_space<vmem>>)
    %dma_wait3A_546 = arith.constant 25 : i32
    %dma_wait3A_547 = arith.constant 0 : i32
    %dma_wait3A_548 = tpu.memref_slice %arg5[%dma_wait3A_546, %dma_wait3A_547] : memref<50x512xi32, #tpu.memory_space<vmem>> -> memref<1x512xi32, #tpu.memory_space<vmem>>
    %dma_wait3A_549 = tpu.memref_squeeze %dma_wait3A_548 : memref<1x512xi32, #tpu.memory_space<vmem>> -> memref<512xi32, #tpu.memory_space<vmem>>
    %dma_wait3A_550 = arith.constant 0 : i32
    %dma_wait3A_551 = arith.constant 0 : i32
    %dma_wait3A_552 = tpu.memref_slice %arg3[%dma_wait3A_550, %dma_wait3A_551] : memref<1000000x32xf32, #tpu.memory_space<hbm>> -> memref<1000000x32xf32, #tpu.memory_space<hbm>>
    tpu.wait_indirect_dma semaphore(%arg7 : memref<!tpu.dma_semaphore, #tpu.memory_space<semaphore_mem>>) src(%dma_wait3A_552 : memref<1000000x32xf32, #tpu.memory_space<hbm>>) dst(%arg6 : memref<512x32xf32, #tpu.memory_space<vmem>>)
    %dma_wait3A_553 = arith.constant 26 : i32
    %dma_wait3A_554 = arith.constant 0 : i32
    %dma_wait3A_555 = tpu.memref_slice %arg5[%dma_wait3A_553, %dma_wait3A_554] : memref<50x512xi32, #tpu.memory_space<vmem>> -> memref<1x512xi32, #tpu.memory_space<vmem>>
    %dma_wait3A_556 = tpu.memref_squeeze %dma_wait3A_555 : memref<1x512xi32, #tpu.memory_space<vmem>> -> memref<512xi32, #tpu.memory_space<vmem>>
    %dma_wait3A_557 = arith.constant 0 : i32
    %dma_wait3A_558 = arith.constant 0 : i32
    %dma_wait3A_559 = tpu.memref_slice %arg3[%dma_wait3A_557, %dma_wait3A_558] : memref<1000000x32xf32, #tpu.memory_space<hbm>> -> memref<1000000x32xf32, #tpu.memory_space<hbm>>
    tpu.wait_indirect_dma semaphore(%arg7 : memref<!tpu.dma_semaphore, #tpu.memory_space<semaphore_mem>>) src(%dma_wait3A_559 : memref<1000000x32xf32, #tpu.memory_space<hbm>>) dst(%arg6 : memref<512x32xf32, #tpu.memory_space<vmem>>)
    %dma_wait3A_560 = arith.constant 27 : i32
    %dma_wait3A_561 = arith.constant 0 : i32
    %dma_wait3A_562 = tpu.memref_slice %arg5[%dma_wait3A_560, %dma_wait3A_561] : memref<50x512xi32, #tpu.memory_space<vmem>> -> memref<1x512xi32, #tpu.memory_space<vmem>>
    %dma_wait3A_563 = tpu.memref_squeeze %dma_wait3A_562 : memref<1x512xi32, #tpu.memory_space<vmem>> -> memref<512xi32, #tpu.memory_space<vmem>>
    %dma_wait3A_564 = arith.constant 0 : i32
    %dma_wait3A_565 = arith.constant 0 : i32
    %dma_wait3A_566 = tpu.memref_slice %arg3[%dma_wait3A_564, %dma_wait3A_565] : memref<1000000x32xf32, #tpu.memory_space<hbm>> -> memref<1000000x32xf32, #tpu.memory_space<hbm>>
    tpu.wait_indirect_dma semaphore(%arg7 : memref<!tpu.dma_semaphore, #tpu.memory_space<semaphore_mem>>) src(%dma_wait3A_566 : memref<1000000x32xf32, #tpu.memory_space<hbm>>) dst(%arg6 : memref<512x32xf32, #tpu.memory_space<vmem>>)
    %dma_wait3A_567 = arith.constant 28 : i32
    %dma_wait3A_568 = arith.constant 0 : i32
    %dma_wait3A_569 = tpu.memref_slice %arg5[%dma_wait3A_567, %dma_wait3A_568] : memref<50x512xi32, #tpu.memory_space<vmem>> -> memref<1x512xi32, #tpu.memory_space<vmem>>
    %dma_wait3A_570 = tpu.memref_squeeze %dma_wait3A_569 : memref<1x512xi32, #tpu.memory_space<vmem>> -> memref<512xi32, #tpu.memory_space<vmem>>
    %dma_wait3A_571 = arith.constant 0 : i32
    %dma_wait3A_572 = arith.constant 0 : i32
    %dma_wait3A_573 = tpu.memref_slice %arg3[%dma_wait3A_571, %dma_wait3A_572] : memref<1000000x32xf32, #tpu.memory_space<hbm>> -> memref<1000000x32xf32, #tpu.memory_space<hbm>>
    tpu.wait_indirect_dma semaphore(%arg7 : memref<!tpu.dma_semaphore, #tpu.memory_space<semaphore_mem>>) src(%dma_wait3A_573 : memref<1000000x32xf32, #tpu.memory_space<hbm>>) dst(%arg6 : memref<512x32xf32, #tpu.memory_space<vmem>>)
    %dma_wait3A_574 = arith.constant 29 : i32
    %dma_wait3A_575 = arith.constant 0 : i32
    %dma_wait3A_576 = tpu.memref_slice %arg5[%dma_wait3A_574, %dma_wait3A_575] : memref<50x512xi32, #tpu.memory_space<vmem>> -> memref<1x512xi32, #tpu.memory_space<vmem>>
    %dma_wait3A_577 = tpu.memref_squeeze %dma_wait3A_576 : memref<1x512xi32, #tpu.memory_space<vmem>> -> memref<512xi32, #tpu.memory_space<vmem>>
    %dma_wait3A_578 = arith.constant 0 : i32
    %dma_wait3A_579 = arith.constant 0 : i32
    %dma_wait3A_580 = tpu.memref_slice %arg3[%dma_wait3A_578, %dma_wait3A_579] : memref<1000000x32xf32, #tpu.memory_space<hbm>> -> memref<1000000x32xf32, #tpu.memory_space<hbm>>
    tpu.wait_indirect_dma semaphore(%arg7 : memref<!tpu.dma_semaphore, #tpu.memory_space<semaphore_mem>>) src(%dma_wait3A_580 : memref<1000000x32xf32, #tpu.memory_space<hbm>>) dst(%arg6 : memref<512x32xf32, #tpu.memory_space<vmem>>)
    %dma_wait3A_581 = arith.constant 30 : i32
    %dma_wait3A_582 = arith.constant 0 : i32
    %dma_wait3A_583 = tpu.memref_slice %arg5[%dma_wait3A_581, %dma_wait3A_582] : memref<50x512xi32, #tpu.memory_space<vmem>> -> memref<1x512xi32, #tpu.memory_space<vmem>>
    %dma_wait3A_584 = tpu.memref_squeeze %dma_wait3A_583 : memref<1x512xi32, #tpu.memory_space<vmem>> -> memref<512xi32, #tpu.memory_space<vmem>>
    %dma_wait3A_585 = arith.constant 0 : i32
    %dma_wait3A_586 = arith.constant 0 : i32
    %dma_wait3A_587 = tpu.memref_slice %arg3[%dma_wait3A_585, %dma_wait3A_586] : memref<1000000x32xf32, #tpu.memory_space<hbm>> -> memref<1000000x32xf32, #tpu.memory_space<hbm>>
    tpu.wait_indirect_dma semaphore(%arg7 : memref<!tpu.dma_semaphore, #tpu.memory_space<semaphore_mem>>) src(%dma_wait3A_587 : memref<1000000x32xf32, #tpu.memory_space<hbm>>) dst(%arg6 : memref<512x32xf32, #tpu.memory_space<vmem>>)
    %dma_wait3A_588 = arith.constant 31 : i32
    %dma_wait3A_589 = arith.constant 0 : i32
    %dma_wait3A_590 = tpu.memref_slice %arg5[%dma_wait3A_588, %dma_wait3A_589] : memref<50x512xi32, #tpu.memory_space<vmem>> -> memref<1x512xi32, #tpu.memory_space<vmem>>
    %dma_wait3A_591 = tpu.memref_squeeze %dma_wait3A_590 : memref<1x512xi32, #tpu.memory_space<vmem>> -> memref<512xi32, #tpu.memory_space<vmem>>
    %dma_wait3A_592 = arith.constant 0 : i32
    %dma_wait3A_593 = arith.constant 0 : i32
    %dma_wait3A_594 = tpu.memref_slice %arg3[%dma_wait3A_592, %dma_wait3A_593] : memref<1000000x32xf32, #tpu.memory_space<hbm>> -> memref<1000000x32xf32, #tpu.memory_space<hbm>>
    tpu.wait_indirect_dma semaphore(%arg7 : memref<!tpu.dma_semaphore, #tpu.memory_space<semaphore_mem>>) src(%dma_wait3A_594 : memref<1000000x32xf32, #tpu.memory_space<hbm>>) dst(%arg6 : memref<512x32xf32, #tpu.memory_space<vmem>>)
    %dma_wait3A_595 = arith.constant 32 : i32
    %dma_wait3A_596 = arith.constant 0 : i32
    %dma_wait3A_597 = tpu.memref_slice %arg5[%dma_wait3A_595, %dma_wait3A_596] : memref<50x512xi32, #tpu.memory_space<vmem>> -> memref<1x512xi32, #tpu.memory_space<vmem>>
    %dma_wait3A_598 = tpu.memref_squeeze %dma_wait3A_597 : memref<1x512xi32, #tpu.memory_space<vmem>> -> memref<512xi32, #tpu.memory_space<vmem>>
    %dma_wait3A_599 = arith.constant 0 : i32
    %dma_wait3A_600 = arith.constant 0 : i32
    %dma_wait3A_601 = tpu.memref_slice %arg3[%dma_wait3A_599, %dma_wait3A_600] : memref<1000000x32xf32, #tpu.memory_space<hbm>> -> memref<1000000x32xf32, #tpu.memory_space<hbm>>
    tpu.wait_indirect_dma semaphore(%arg7 : memref<!tpu.dma_semaphore, #tpu.memory_space<semaphore_mem>>) src(%dma_wait3A_601 : memref<1000000x32xf32, #tpu.memory_space<hbm>>) dst(%arg6 : memref<512x32xf32, #tpu.memory_space<vmem>>)
    %dma_wait3A_602 = arith.constant 33 : i32
    %dma_wait3A_603 = arith.constant 0 : i32
    %dma_wait3A_604 = tpu.memref_slice %arg5[%dma_wait3A_602, %dma_wait3A_603] : memref<50x512xi32, #tpu.memory_space<vmem>> -> memref<1x512xi32, #tpu.memory_space<vmem>>
    %dma_wait3A_605 = tpu.memref_squeeze %dma_wait3A_604 : memref<1x512xi32, #tpu.memory_space<vmem>> -> memref<512xi32, #tpu.memory_space<vmem>>
    %dma_wait3A_606 = arith.constant 0 : i32
    %dma_wait3A_607 = arith.constant 0 : i32
    %dma_wait3A_608 = tpu.memref_slice %arg3[%dma_wait3A_606, %dma_wait3A_607] : memref<1000000x32xf32, #tpu.memory_space<hbm>> -> memref<1000000x32xf32, #tpu.memory_space<hbm>>
    tpu.wait_indirect_dma semaphore(%arg7 : memref<!tpu.dma_semaphore, #tpu.memory_space<semaphore_mem>>) src(%dma_wait3A_608 : memref<1000000x32xf32, #tpu.memory_space<hbm>>) dst(%arg6 : memref<512x32xf32, #tpu.memory_space<vmem>>)
    %dma_wait3A_609 = arith.constant 34 : i32
    %dma_wait3A_610 = arith.constant 0 : i32
    %dma_wait3A_611 = tpu.memref_slice %arg5[%dma_wait3A_609, %dma_wait3A_610] : memref<50x512xi32, #tpu.memory_space<vmem>> -> memref<1x512xi32, #tpu.memory_space<vmem>>
    %dma_wait3A_612 = tpu.memref_squeeze %dma_wait3A_611 : memref<1x512xi32, #tpu.memory_space<vmem>> -> memref<512xi32, #tpu.memory_space<vmem>>
    %dma_wait3A_613 = arith.constant 0 : i32
    %dma_wait3A_614 = arith.constant 0 : i32
    %dma_wait3A_615 = tpu.memref_slice %arg3[%dma_wait3A_613, %dma_wait3A_614] : memref<1000000x32xf32, #tpu.memory_space<hbm>> -> memref<1000000x32xf32, #tpu.memory_space<hbm>>
    tpu.wait_indirect_dma semaphore(%arg7 : memref<!tpu.dma_semaphore, #tpu.memory_space<semaphore_mem>>) src(%dma_wait3A_615 : memref<1000000x32xf32, #tpu.memory_space<hbm>>) dst(%arg6 : memref<512x32xf32, #tpu.memory_space<vmem>>)
    %dma_wait3A_616 = arith.constant 35 : i32
    %dma_wait3A_617 = arith.constant 0 : i32
    %dma_wait3A_618 = tpu.memref_slice %arg5[%dma_wait3A_616, %dma_wait3A_617] : memref<50x512xi32, #tpu.memory_space<vmem>> -> memref<1x512xi32, #tpu.memory_space<vmem>>
    %dma_wait3A_619 = tpu.memref_squeeze %dma_wait3A_618 : memref<1x512xi32, #tpu.memory_space<vmem>> -> memref<512xi32, #tpu.memory_space<vmem>>
    %dma_wait3A_620 = arith.constant 0 : i32
    %dma_wait3A_621 = arith.constant 0 : i32
    %dma_wait3A_622 = tpu.memref_slice %arg3[%dma_wait3A_620, %dma_wait3A_621] : memref<1000000x32xf32, #tpu.memory_space<hbm>> -> memref<1000000x32xf32, #tpu.memory_space<hbm>>
    tpu.wait_indirect_dma semaphore(%arg7 : memref<!tpu.dma_semaphore, #tpu.memory_space<semaphore_mem>>) src(%dma_wait3A_622 : memref<1000000x32xf32, #tpu.memory_space<hbm>>) dst(%arg6 : memref<512x32xf32, #tpu.memory_space<vmem>>)
    %dma_wait3A_623 = arith.constant 36 : i32
    %dma_wait3A_624 = arith.constant 0 : i32
    %dma_wait3A_625 = tpu.memref_slice %arg5[%dma_wait3A_623, %dma_wait3A_624] : memref<50x512xi32, #tpu.memory_space<vmem>> -> memref<1x512xi32, #tpu.memory_space<vmem>>
    %dma_wait3A_626 = tpu.memref_squeeze %dma_wait3A_625 : memref<1x512xi32, #tpu.memory_space<vmem>> -> memref<512xi32, #tpu.memory_space<vmem>>
    %dma_wait3A_627 = arith.constant 0 : i32
    %dma_wait3A_628 = arith.constant 0 : i32
    %dma_wait3A_629 = tpu.memref_slice %arg3[%dma_wait3A_627, %dma_wait3A_628] : memref<1000000x32xf32, #tpu.memory_space<hbm>> -> memref<1000000x32xf32, #tpu.memory_space<hbm>>
    tpu.wait_indirect_dma semaphore(%arg7 : memref<!tpu.dma_semaphore, #tpu.memory_space<semaphore_mem>>) src(%dma_wait3A_629 : memref<1000000x32xf32, #tpu.memory_space<hbm>>) dst(%arg6 : memref<512x32xf32, #tpu.memory_space<vmem>>)
    %dma_wait3A_630 = arith.constant 37 : i32
    %dma_wait3A_631 = arith.constant 0 : i32
    %dma_wait3A_632 = tpu.memref_slice %arg5[%dma_wait3A_630, %dma_wait3A_631] : memref<50x512xi32, #tpu.memory_space<vmem>> -> memref<1x512xi32, #tpu.memory_space<vmem>>
    %dma_wait3A_633 = tpu.memref_squeeze %dma_wait3A_632 : memref<1x512xi32, #tpu.memory_space<vmem>> -> memref<512xi32, #tpu.memory_space<vmem>>
    %dma_wait3A_634 = arith.constant 0 : i32
    %dma_wait3A_635 = arith.constant 0 : i32
    %dma_wait3A_636 = tpu.memref_slice %arg3[%dma_wait3A_634, %dma_wait3A_635] : memref<1000000x32xf32, #tpu.memory_space<hbm>> -> memref<1000000x32xf32, #tpu.memory_space<hbm>>
    tpu.wait_indirect_dma semaphore(%arg7 : memref<!tpu.dma_semaphore, #tpu.memory_space<semaphore_mem>>) src(%dma_wait3A_636 : memref<1000000x32xf32, #tpu.memory_space<hbm>>) dst(%arg6 : memref<512x32xf32, #tpu.memory_space<vmem>>)
    %dma_wait3A_637 = arith.constant 38 : i32
    %dma_wait3A_638 = arith.constant 0 : i32
    %dma_wait3A_639 = tpu.memref_slice %arg5[%dma_wait3A_637, %dma_wait3A_638] : memref<50x512xi32, #tpu.memory_space<vmem>> -> memref<1x512xi32, #tpu.memory_space<vmem>>
    %dma_wait3A_640 = tpu.memref_squeeze %dma_wait3A_639 : memref<1x512xi32, #tpu.memory_space<vmem>> -> memref<512xi32, #tpu.memory_space<vmem>>
    %dma_wait3A_641 = arith.constant 0 : i32
    %dma_wait3A_642 = arith.constant 0 : i32
    %dma_wait3A_643 = tpu.memref_slice %arg3[%dma_wait3A_641, %dma_wait3A_642] : memref<1000000x32xf32, #tpu.memory_space<hbm>> -> memref<1000000x32xf32, #tpu.memory_space<hbm>>
    tpu.wait_indirect_dma semaphore(%arg7 : memref<!tpu.dma_semaphore, #tpu.memory_space<semaphore_mem>>) src(%dma_wait3A_643 : memref<1000000x32xf32, #tpu.memory_space<hbm>>) dst(%arg6 : memref<512x32xf32, #tpu.memory_space<vmem>>)
    %dma_wait3A_644 = arith.constant 39 : i32
    %dma_wait3A_645 = arith.constant 0 : i32
    %dma_wait3A_646 = tpu.memref_slice %arg5[%dma_wait3A_644, %dma_wait3A_645] : memref<50x512xi32, #tpu.memory_space<vmem>> -> memref<1x512xi32, #tpu.memory_space<vmem>>
    %dma_wait3A_647 = tpu.memref_squeeze %dma_wait3A_646 : memref<1x512xi32, #tpu.memory_space<vmem>> -> memref<512xi32, #tpu.memory_space<vmem>>
    %dma_wait3A_648 = arith.constant 0 : i32
    %dma_wait3A_649 = arith.constant 0 : i32
    %dma_wait3A_650 = tpu.memref_slice %arg3[%dma_wait3A_648, %dma_wait3A_649] : memref<1000000x32xf32, #tpu.memory_space<hbm>> -> memref<1000000x32xf32, #tpu.memory_space<hbm>>
    tpu.wait_indirect_dma semaphore(%arg7 : memref<!tpu.dma_semaphore, #tpu.memory_space<semaphore_mem>>) src(%dma_wait3A_650 : memref<1000000x32xf32, #tpu.memory_space<hbm>>) dst(%arg6 : memref<512x32xf32, #tpu.memory_space<vmem>>)
    %dma_wait3A_651 = arith.constant 40 : i32
    %dma_wait3A_652 = arith.constant 0 : i32
    %dma_wait3A_653 = tpu.memref_slice %arg5[%dma_wait3A_651, %dma_wait3A_652] : memref<50x512xi32, #tpu.memory_space<vmem>> -> memref<1x512xi32, #tpu.memory_space<vmem>>
    %dma_wait3A_654 = tpu.memref_squeeze %dma_wait3A_653 : memref<1x512xi32, #tpu.memory_space<vmem>> -> memref<512xi32, #tpu.memory_space<vmem>>
    %dma_wait3A_655 = arith.constant 0 : i32
    %dma_wait3A_656 = arith.constant 0 : i32
    %dma_wait3A_657 = tpu.memref_slice %arg3[%dma_wait3A_655, %dma_wait3A_656] : memref<1000000x32xf32, #tpu.memory_space<hbm>> -> memref<1000000x32xf32, #tpu.memory_space<hbm>>
    tpu.wait_indirect_dma semaphore(%arg7 : memref<!tpu.dma_semaphore, #tpu.memory_space<semaphore_mem>>) src(%dma_wait3A_657 : memref<1000000x32xf32, #tpu.memory_space<hbm>>) dst(%arg6 : memref<512x32xf32, #tpu.memory_space<vmem>>)
    %dma_wait3A_658 = arith.constant 41 : i32
    %dma_wait3A_659 = arith.constant 0 : i32
    %dma_wait3A_660 = tpu.memref_slice %arg5[%dma_wait3A_658, %dma_wait3A_659] : memref<50x512xi32, #tpu.memory_space<vmem>> -> memref<1x512xi32, #tpu.memory_space<vmem>>
    %dma_wait3A_661 = tpu.memref_squeeze %dma_wait3A_660 : memref<1x512xi32, #tpu.memory_space<vmem>> -> memref<512xi32, #tpu.memory_space<vmem>>
    %dma_wait3A_662 = arith.constant 0 : i32
    %dma_wait3A_663 = arith.constant 0 : i32
    %dma_wait3A_664 = tpu.memref_slice %arg3[%dma_wait3A_662, %dma_wait3A_663] : memref<1000000x32xf32, #tpu.memory_space<hbm>> -> memref<1000000x32xf32, #tpu.memory_space<hbm>>
    tpu.wait_indirect_dma semaphore(%arg7 : memref<!tpu.dma_semaphore, #tpu.memory_space<semaphore_mem>>) src(%dma_wait3A_664 : memref<1000000x32xf32, #tpu.memory_space<hbm>>) dst(%arg6 : memref<512x32xf32, #tpu.memory_space<vmem>>)
    %dma_wait3A_665 = arith.constant 42 : i32
    %dma_wait3A_666 = arith.constant 0 : i32
    %dma_wait3A_667 = tpu.memref_slice %arg5[%dma_wait3A_665, %dma_wait3A_666] : memref<50x512xi32, #tpu.memory_space<vmem>> -> memref<1x512xi32, #tpu.memory_space<vmem>>
    %dma_wait3A_668 = tpu.memref_squeeze %dma_wait3A_667 : memref<1x512xi32, #tpu.memory_space<vmem>> -> memref<512xi32, #tpu.memory_space<vmem>>
    %dma_wait3A_669 = arith.constant 0 : i32
    %dma_wait3A_670 = arith.constant 0 : i32
    %dma_wait3A_671 = tpu.memref_slice %arg3[%dma_wait3A_669, %dma_wait3A_670] : memref<1000000x32xf32, #tpu.memory_space<hbm>> -> memref<1000000x32xf32, #tpu.memory_space<hbm>>
    tpu.wait_indirect_dma semaphore(%arg7 : memref<!tpu.dma_semaphore, #tpu.memory_space<semaphore_mem>>) src(%dma_wait3A_671 : memref<1000000x32xf32, #tpu.memory_space<hbm>>) dst(%arg6 : memref<512x32xf32, #tpu.memory_space<vmem>>)
    %dma_wait3A_672 = arith.constant 43 : i32
    %dma_wait3A_673 = arith.constant 0 : i32
    %dma_wait3A_674 = tpu.memref_slice %arg5[%dma_wait3A_672, %dma_wait3A_673] : memref<50x512xi32, #tpu.memory_space<vmem>> -> memref<1x512xi32, #tpu.memory_space<vmem>>
    %dma_wait3A_675 = tpu.memref_squeeze %dma_wait3A_674 : memref<1x512xi32, #tpu.memory_space<vmem>> -> memref<512xi32, #tpu.memory_space<vmem>>
    %dma_wait3A_676 = arith.constant 0 : i32
    %dma_wait3A_677 = arith.constant 0 : i32
    %dma_wait3A_678 = tpu.memref_slice %arg3[%dma_wait3A_676, %dma_wait3A_677] : memref<1000000x32xf32, #tpu.memory_space<hbm>> -> memref<1000000x32xf32, #tpu.memory_space<hbm>>
    tpu.wait_indirect_dma semaphore(%arg7 : memref<!tpu.dma_semaphore, #tpu.memory_space<semaphore_mem>>) src(%dma_wait3A_678 : memref<1000000x32xf32, #tpu.memory_space<hbm>>) dst(%arg6 : memref<512x32xf32, #tpu.memory_space<vmem>>)
    %dma_wait3A_679 = arith.constant 44 : i32
    %dma_wait3A_680 = arith.constant 0 : i32
    %dma_wait3A_681 = tpu.memref_slice %arg5[%dma_wait3A_679, %dma_wait3A_680] : memref<50x512xi32, #tpu.memory_space<vmem>> -> memref<1x512xi32, #tpu.memory_space<vmem>>
    %dma_wait3A_682 = tpu.memref_squeeze %dma_wait3A_681 : memref<1x512xi32, #tpu.memory_space<vmem>> -> memref<512xi32, #tpu.memory_space<vmem>>
    %dma_wait3A_683 = arith.constant 0 : i32
    %dma_wait3A_684 = arith.constant 0 : i32
    %dma_wait3A_685 = tpu.memref_slice %arg3[%dma_wait3A_683, %dma_wait3A_684] : memref<1000000x32xf32, #tpu.memory_space<hbm>> -> memref<1000000x32xf32, #tpu.memory_space<hbm>>
    tpu.wait_indirect_dma semaphore(%arg7 : memref<!tpu.dma_semaphore, #tpu.memory_space<semaphore_mem>>) src(%dma_wait3A_685 : memref<1000000x32xf32, #tpu.memory_space<hbm>>) dst(%arg6 : memref<512x32xf32, #tpu.memory_space<vmem>>)
    %dma_wait3A_686 = arith.constant 45 : i32
    %dma_wait3A_687 = arith.constant 0 : i32
    %dma_wait3A_688 = tpu.memref_slice %arg5[%dma_wait3A_686, %dma_wait3A_687] : memref<50x512xi32, #tpu.memory_space<vmem>> -> memref<1x512xi32, #tpu.memory_space<vmem>>
    %dma_wait3A_689 = tpu.memref_squeeze %dma_wait3A_688 : memref<1x512xi32, #tpu.memory_space<vmem>> -> memref<512xi32, #tpu.memory_space<vmem>>
    %dma_wait3A_690 = arith.constant 0 : i32
    %dma_wait3A_691 = arith.constant 0 : i32
    %dma_wait3A_692 = tpu.memref_slice %arg3[%dma_wait3A_690, %dma_wait3A_691] : memref<1000000x32xf32, #tpu.memory_space<hbm>> -> memref<1000000x32xf32, #tpu.memory_space<hbm>>
    tpu.wait_indirect_dma semaphore(%arg7 : memref<!tpu.dma_semaphore, #tpu.memory_space<semaphore_mem>>) src(%dma_wait3A_692 : memref<1000000x32xf32, #tpu.memory_space<hbm>>) dst(%arg6 : memref<512x32xf32, #tpu.memory_space<vmem>>)
    %dma_wait3A_693 = arith.constant 46 : i32
    %dma_wait3A_694 = arith.constant 0 : i32
    %dma_wait3A_695 = tpu.memref_slice %arg5[%dma_wait3A_693, %dma_wait3A_694] : memref<50x512xi32, #tpu.memory_space<vmem>> -> memref<1x512xi32, #tpu.memory_space<vmem>>
    %dma_wait3A_696 = tpu.memref_squeeze %dma_wait3A_695 : memref<1x512xi32, #tpu.memory_space<vmem>> -> memref<512xi32, #tpu.memory_space<vmem>>
    %dma_wait3A_697 = arith.constant 0 : i32
    %dma_wait3A_698 = arith.constant 0 : i32
    %dma_wait3A_699 = tpu.memref_slice %arg3[%dma_wait3A_697, %dma_wait3A_698] : memref<1000000x32xf32, #tpu.memory_space<hbm>> -> memref<1000000x32xf32, #tpu.memory_space<hbm>>
    tpu.wait_indirect_dma semaphore(%arg7 : memref<!tpu.dma_semaphore, #tpu.memory_space<semaphore_mem>>) src(%dma_wait3A_699 : memref<1000000x32xf32, #tpu.memory_space<hbm>>) dst(%arg6 : memref<512x32xf32, #tpu.memory_space<vmem>>)
    %dma_wait3A_700 = arith.constant 47 : i32
    %dma_wait3A_701 = arith.constant 0 : i32
    %dma_wait3A_702 = tpu.memref_slice %arg5[%dma_wait3A_700, %dma_wait3A_701] : memref<50x512xi32, #tpu.memory_space<vmem>> -> memref<1x512xi32, #tpu.memory_space<vmem>>
    %dma_wait3A_703 = tpu.memref_squeeze %dma_wait3A_702 : memref<1x512xi32, #tpu.memory_space<vmem>> -> memref<512xi32, #tpu.memory_space<vmem>>
    %dma_wait3A_704 = arith.constant 0 : i32
    %dma_wait3A_705 = arith.constant 0 : i32
    %dma_wait3A_706 = tpu.memref_slice %arg3[%dma_wait3A_704, %dma_wait3A_705] : memref<1000000x32xf32, #tpu.memory_space<hbm>> -> memref<1000000x32xf32, #tpu.memory_space<hbm>>
    tpu.wait_indirect_dma semaphore(%arg7 : memref<!tpu.dma_semaphore, #tpu.memory_space<semaphore_mem>>) src(%dma_wait3A_706 : memref<1000000x32xf32, #tpu.memory_space<hbm>>) dst(%arg6 : memref<512x32xf32, #tpu.memory_space<vmem>>)
    %dma_wait3A_707 = arith.constant 48 : i32
    %dma_wait3A_708 = arith.constant 0 : i32
    %dma_wait3A_709 = tpu.memref_slice %arg5[%dma_wait3A_707, %dma_wait3A_708] : memref<50x512xi32, #tpu.memory_space<vmem>> -> memref<1x512xi32, #tpu.memory_space<vmem>>
    %dma_wait3A_710 = tpu.memref_squeeze %dma_wait3A_709 : memref<1x512xi32, #tpu.memory_space<vmem>> -> memref<512xi32, #tpu.memory_space<vmem>>
    %dma_wait3A_711 = arith.constant 0 : i32
    %dma_wait3A_712 = arith.constant 0 : i32
    %dma_wait3A_713 = tpu.memref_slice %arg3[%dma_wait3A_711, %dma_wait3A_712] : memref<1000000x32xf32, #tpu.memory_space<hbm>> -> memref<1000000x32xf32, #tpu.memory_space<hbm>>
    tpu.wait_indirect_dma semaphore(%arg7 : memref<!tpu.dma_semaphore, #tpu.memory_space<semaphore_mem>>) src(%dma_wait3A_713 : memref<1000000x32xf32, #tpu.memory_space<hbm>>) dst(%arg6 : memref<512x32xf32, #tpu.memory_space<vmem>>)
    %dma_wait3A_714 = arith.constant 49 : i32
    %dma_wait3A_715 = arith.constant 0 : i32
    %dma_wait3A_716 = tpu.memref_slice %arg5[%dma_wait3A_714, %dma_wait3A_715] : memref<50x512xi32, #tpu.memory_space<vmem>> -> memref<1x512xi32, #tpu.memory_space<vmem>>
    %dma_wait3A_717 = tpu.memref_squeeze %dma_wait3A_716 : memref<1x512xi32, #tpu.memory_space<vmem>> -> memref<512xi32, #tpu.memory_space<vmem>>
    %dma_wait3A_718 = arith.constant 0 : i32
    %dma_wait3A_719 = arith.constant 0 : i32
    %dma_wait3A_720 = tpu.memref_slice %arg3[%dma_wait3A_718, %dma_wait3A_719] : memref<1000000x32xf32, #tpu.memory_space<hbm>> -> memref<1000000x32xf32, #tpu.memory_space<hbm>>
    tpu.wait_indirect_dma semaphore(%arg7 : memref<!tpu.dma_semaphore, #tpu.memory_space<semaphore_mem>>) src(%dma_wait3A_720 : memref<1000000x32xf32, #tpu.memory_space<hbm>>) dst(%arg6 : memref<512x32xf32, #tpu.memory_space<vmem>>)
    %mul3A_721 = arith.constant 512 : i32
    %mul3A_722 = arith.muli %add3A, %mul3A_721 : i32
    "tpu.region"() ({
      %run_scoped3A = tpu.sem_alloc : memref<!tpu.dma_semaphore, #tpu.memory_space<semaphore_mem>>
      %dma_start3A_723 = arith.constant 0 : i32
      %dma_start3A_724 = tpu.memref_slice %arg4[%mul3A_722, %dma_start3A_723] : memref<16384x32xf32, #tpu.memory_space<hbm>> -> memref<512x32xf32, #tpu.memory_space<hbm>>
      %dma_start3A_725 = arith.constant 0 : i32
      %dma_start3A_726 = tpu.memref_slice %arg4[%mul3A_722, %dma_start3A_725] : memref<16384x32xf32, #tpu.memory_space<hbm>> -> memref<512x32xf32, #tpu.memory_space<hbm>>
      tpu.enqueue_dma source(%arg6 : memref<512x32xf32, #tpu.memory_space<vmem>>) target(%dma_start3A_726 : memref<512x32xf32, #tpu.memory_space<hbm>>) target_semaphore(%run_scoped3A : memref<!tpu.dma_semaphore, #tpu.memory_space<semaphore_mem>>)
      %dma_wait3A_727 = arith.constant 0 : i32
      %dma_wait3A_728 = tpu.memref_slice %arg4[%mul3A_722, %dma_wait3A_727] : memref<16384x32xf32, #tpu.memory_space<hbm>> -> memref<512x32xf32, #tpu.memory_space<hbm>>
      %dma_wait3A_729 = arith.constant 0 : i32
      %dma_wait3A_730 = tpu.memref_slice %arg4[%mul3A_722, %dma_wait3A_729] : memref<16384x32xf32, #tpu.memory_space<hbm>> -> memref<512x32xf32, #tpu.memory_space<hbm>>
      tpu.wait_dma2 semaphore(%run_scoped3A : memref<!tpu.dma_semaphore, #tpu.memory_space<semaphore_mem>>) src(%arg6 : memref<512x32xf32, #tpu.memory_space<vmem>>) dst(%dma_wait3A_730 : memref<512x32xf32, #tpu.memory_space<hbm>>)
      tpu.yield
    }) : () -> ()
    return
  }
}

</mosaic_0001>

<sc_bundles>
// kernel: kernel.3.cloned.1.call-start
scs
__scs_entry_jumppad:
0x0: {  	(pc) =	sbr.rel $0x88, $3  }
0x1: {  	(tag) =	ssettag $0x0;
	lr =	simm.s32 $0x1  }
0x2: {  	[smem:$0x3F9F] =	sst lr;
	_ =	strace $0xD0000000  }
0x3: {  	_ = 	snop  }
0x4: {  	_ = 	snop  }
0x5: {  	_ = 	snop  }
0x6: {  	_ = 	snop  }
0x7: {  	_ = 	snop  }
__scs_overlays_trampoline_lowered:
0x8: {  	[smem:$0x3FAE] =	sst s0  }
0x9: {  	[smem:$0x3FAF] =	sst s1  }
0xa: {  	[smem:$0x3FB0] =	sst s2  }
0xb: {  	[smem:$0x3FB1] =	sst s3  }
0xc: {  	[smem:$0x3FB2] =	sst s4  }
0xd: {  	[smem:$0x3FB3] =	sst s5  }
0xe: {  	[smem:$0x3FB4] =	sst s6  }
0xf: {  	[smem:$0x3FB5] =	sst s7  }
0x10: {  	[smem:$0x3FB6] =	sst s8  }
0x11: {  	[smem:$0x3FB7] =	sst s9;
	s0 =	simm.s32 @!p0 $0x0  }
0x12: {  	s1 =	sld [smem:$0x3F9D];
	s0 =	simm.s32 @p0 $0x1  }
0x13: {  	[smem:$0x3FB8] =	sst s0;
	s0 =	simm.s32 @!p1 $0x0  }
0x14: {  	s2 =	sld [smem:$0x3F9C];
	s0 =	simm.s32 @p1 $0x1  }
0x15: {  	[smem:$0x3FB9] =	sst s0;
	s0 =	simm.s32 @!p2 $0x0  }
0x16: {  	s3 =	sld [smem:$0x3FDB];
	s0 =	simm.s32 @p2 $0x1  }
0x17: {  	s4 =	simm.s32 $0x1BF5;
	[smem:$0x3FBB] =	sst s0  }
0x18: {  	s0 =	sld [smem:$0x3F9E];
	_ =	swait.ge [sflag:s4], $0x0  }
0x19: {  	s7 =	sld [smem:$0x3F9F]  }
0x1a: {  	s8 =	sadd.s32 $0xFFFFE003, lr  }
0x1b: {  	s9 =	sadd.s32 $0xFFFFFEF7, lr;
	s5 =	simm.s32 $0xFFFFFFFF;
	p2 =	slt.u32 s8, $0xFFFFF086  }
0x1c: {  	p1 =	slt.u32 s9, $0xF7A;
	s5 =	simm.s32 @!p2 $0x0  }
0x1d: {  	s5 =	simm.s32 @p1 $0x1;
	p0 =	seq.s32 s7, s2  }
0x1e: {  	s7 =	smul.u32 @!p0 $0xF7A, s2;
	p2 =	seq.s32 @!p0 s5, $0x0  }
0x1f: {  	s9 =	smul.u32 $0xF7A, s1;
	s8 =	simm.s32 @!p0 $0x1BF5;
	p2 =	por !p2, p0  }
0x20: {  	[sflag:s8] =	ssyncset.s32 @!p0 $0xFFFFF086;
	s6 =	sadd.s32 @!p0 s3, s7;
	s7 =	simm.s32 @!p0 $0x108  }
0x21: {  	s3 =	sadd.s32 s3, s9;
	s6 =	sadd.s32 @!p0 $0x88, s6;
	s7 =	simm.s32 @p2 $0x1082  }
0x22: {  	[simem:s7], [sflag:s8] =	dma.local @!p0 [hbm:s6], $0xF7A  }
0x23: {  	s9 =	sor.u32 $0xD0000000, s2;
	s6 =	simm.s32 $0x108;
	_ =	swait.ge @!p0 [sflag:s8], $0x0  }
0x24: {  	s3 =	sadd.s32 $0x88, s3;
	s6 =	simm.s32 @!p1 $0x1082;
	[sflag:s4] =	ssyncset.s32 $0xFFFFF086  }
0x25: {  	[simem:s6], [sflag:s4] =	dma.local [hbm:s3], $0xF7A  }
0x26: {  	[smem:$0x3F9F] =	sst s1;
	(tag) =	ssettag s2;
	_ =	strace s9  }
0x27: {  	s1 =	sld [smem:$0x3FAF]  }
0x28: {  	s2 =	sld [smem:$0x3FB0]  }
0x29: {  	s4 =	sld [smem:$0x3FB2]  }
0x2a: {  	p0 =	seq.s32 s5, $0x0;
	s5 =	sld [smem:$0x3FB3]  }
0x2b: {  	s6 =	sld [smem:$0x3FB4]  }
0x2c: {  	s7 =	sld [smem:$0x3FB5]  }
0x2d: {  	s3 =	simm.s32 $0x108;
	s8 =	sld [smem:$0x3FB6]  }
0x2e: {  	s3 =	simm.s32 @!p0 $0x1082;
	s9 =	sld [smem:$0x3FB7]  }
0x2f: {  	lr =	sadd.s32 s0, s3;
	s0 =	sld [smem:$0x3FAE]  }
0x30: {  	s3 =	sld [smem:$0x3FB1]  }
0x31: {  	[smem:$0x3FBA] =	sst s10  }
0x32: {  	s10 =	sld [smem:$0x3FB8];
	_ =	sdelay $0x3  }
0x33: {  	p0 =	seq.s32 s10, $0x1;
	s10 =	sld [smem:$0x3FBA];
	_ =	sdelay $0x3  }
0x34: {  	[smem:$0x3FBA] =	sst s10  }
0x35: {  	s10 =	sld [smem:$0x3FB9];
	_ =	sdelay $0x3  }
0x36: {  	p1 =	seq.s32 s10, $0x1;
	s10 =	sld [smem:$0x3FBA];
	_ =	sdelay $0x3  }
0x37: {  	[smem:$0x3FBA] =	sst s10  }
0x38: {  	s10 =	sld [smem:$0x3FBB]  }
0x39: {  	_ = 	snop;
	(pc) =	sbr.ind lr, $3  }
0x3a: {  	_ = 	snop  }
0x3b: {  	_ = 	snop  }
0x3c: {  	p2 =	seq.s32 s10, $0x1;
	s10 =	sld [smem:$0x3FBA]  }
0x3d: {  	_ =	shalt  }
0x3e: {  	_ =	shalt  }
0x3f: {  	_ =	shalt  }
0x40: {  	_ =	shalt  }
0x41: {  	_ =	shalt  }
0x42: {  	_ =	shalt  }
0x43: {  	_ =	shalt  }
0x44: {  	_ =	shalt  }
0x45: {  	_ =	shalt  }
0x46: {  	_ =	shalt  }
0x47: {  	_ =	shalt  }
0x48: {  	_ =	shalt  }
0x49: {  	_ =	shalt  }
0x4a: {  	_ =	shalt  }
0x4b: {  	_ =	shalt  }
0x4c: {  	_ =	shalt  }
0x4d: {  	_ =	shalt  }
0x4e: {  	_ =	shalt  }
0x4f: {  	_ =	shalt  }
0x50: {  	_ =	shalt  }
0x51: {  	_ =	shalt  }
0x52: {  	_ =	shalt  }
0x53: {  	_ =	shalt  }
0x54: {  	_ =	shalt  }
0x55: {  	_ =	shalt  }
0x56: {  	_ =	shalt  }
0x57: {  	_ =	shalt  }
0x58: {  	_ =	shalt  }
0x59: {  	_ =	shalt  }
0x5a: {  	_ =	shalt  }
0x5b: {  	_ =	shalt  }
0x5c: {  	_ =	shalt  }
0x5d: {  	_ =	shalt  }
0x5e: {  	_ =	shalt  }
0x5f: {  	_ =	shalt  }
0x60: {  	_ =	shalt  }
0x61: {  	_ =	shalt  }
0x62: {  	_ =	shalt  }
0x63: {  	_ =	shalt  }
0x64: {  	_ =	shalt  }
0x65: {  	_ =	shalt  }
0x66: {  	_ =	shalt  }
0x67: {  	_ =	shalt  }
0x68: {  	_ =	shalt  }
0x69: {  	_ =	shalt  }
0x6a: {  	_ =	shalt  }
0x6b: {  	_ =	shalt  }
0x6c: {  	_ =	shalt  }
0x6d: {  	_ =	shalt  }
0x6e: {  	_ =	shalt  }
0x6f: {  	_ =	shalt  }
0x70: {  	_ =	shalt  }
0x71: {  	_ =	shalt  }
0x72: {  	_ =	shalt  }
0x73: {  	_ =	shalt  }
0x74: {  	_ =	shalt  }
0x75: {  	_ =	shalt  }
0x76: {  	_ =	shalt  }
0x77: {  	_ =	shalt  }
0x78: {  	_ =	shalt  }
0x79: {  	_ =	shalt  }
0x7a: {  	_ =	shalt  }
0x7b: {  	_ =	shalt  }
0x7c: {  	_ =	shalt  }
0x7d: {  	_ =	shalt  }
0x7e: {  	_ =	shalt  }
0x7f: {  	_ =	shalt  }
0x80: {  	_ =	shalt  }
0x81: {  	_ =	shalt  }
0x82: {  	_ =	shalt  }
0x83: {  	_ =	shalt  }
0x84: {  	_ =	shalt  }
0x85: {  	_ =	shalt  }
0x86: {  	_ =	shalt  }
0x87: {  	_ =	shalt  }
.Lfunc_end0:
.L_simem_size_0:
called_computation_lowered:
.L_overlay_start_0:
0x88: {  	s2 =	sld [smem:$0x3FD9]  }
0x89: {  	s3 =	sld [smem:$0x3FFE];
	_ =	sdelay $0x1  }
0x8a: {  	s1 =	srdreg.scid  }
0x8b: {  	s0 =	sand.u32 $0x1, s1  }
0x8c: {  	s17 =	sshll.u32 s0, $0xA;
	s2 =	sadd.s32 s3, s2  }
0x8d: {  	s2 =	sadd.s32 s2, s17  }
0x8e: {  	[smem:$0x3FC6] =	sst s2  }
0x8f: {  	_ = 	snop  }
0x90: {  	s2 =	sld [smem:$0x3FD0];
	(tm) =	ssettm $0x1  }
0x91: {  	s18 =	sld [smem:$0x3FFB];
	_ =	sdelay $0x3  }
0x92: {  	_ =	strace s18  }
0x93: {  	s3 =	sld [smem:$0x3FFC];
	_ =	sdelay $0x3  }
0x94: {  	_ =	strace s3  }
0x95: {  	s3 =	sld [smem:$0x3FFD];
	_ =	sdelay $0x3  }
0x96: {  	_ =	strace s3  }
0x97: {  	_ =	strace $0x8FFFFFFF  }
0x98: {  	s19 =	sld [smem:$0x3FDB];
	_ =	sdelay $0x1  }
0x99: {  	s4 =	simm.s32 $_scs_section_size  }
0x9a: {  	s5 =	simm.s32 $_size__tile_overlayer_lowered;
	s6 =	simm.s32 $_tile_overlayer_lowered  }
0x9b: {  	s22 =	simm.s32 $0x1BFF;
	s21 =	sshll.u32 s6, $0x1;
	s3 =	sadd.s32 s4, s19  }
0x9c: {  	s7 =	simm.s32 $0x0;
	s20 =	sshll.u32 s5, $0x1;
	s5 =	sadd.s32 s21, s3  }
0x9d: {  	[timem:s7], [sflag:s22] =	dma.local [hbm:s5], s20  }
0x9e: {  	_ =	swait.ge [sflag:s22], s20  }
0x9f: {  	s4 =	ssub.s32 $0x0, s20;
	[sflag:s22] =	ssyncset.done $0x0  }
0xa0: {  	[sflag:s22] =	ssyncadd.s32 s4;
	_ =	sdelay $0x1  }
0xa1: {  	s23 =	simm.s32 $0x1B8B  }
0xa2: {  	_ =	swait.ge [sflag:s23], $0x1  }
0xa3: {  	[sflag:s23] =	ssyncset.done $0x0  }
0xa4: {  	s25 =	simm.s32 $0x1B8E;
	s24 =	sld [smem:$0x3FFE];
	[sflag:s23] =	ssyncadd.s32 $0xFFFFFFFF  }
0xa5: {  	s26 =	simm.s32 $execute0_lowered;
	[smem:$0x3FD2] =	sst s25  }
0xa6: {  	s5 =	sshll.u32 s26, $0x1;
	_ =	strace $0x80000046;
	[dreg:$0x1] =	wrdreg $0xFFFFFFFF  }
0xa7: {  	s28 =	simm.s32 $_size_execute0_lowered;
	s3 =	sadd.s32 s3, s5;
	[dreg:$0x0] =	wrdreg $0x0  }
0xa8: {  	s5 =	sshll.u32 s28, $0x1;
	[dreg:$0x2] =	wrdreg s3  }
0xa9: {  	[dreg:$0x3] =	wrdreg s5  }
0xaa: {  	[dreg:$0x4] =	wrdreg $0xC0  }
0xab: {  	_ =	task [dreg:s7], $0x5FFFF  }
0xac: {  	[dreg:$0x1] =	wrdreg $0xFFFFFFFF  }
0xad: {  	[dreg:$0x0] =	wrdreg $0x60  }
0xae: {  	[dreg:$0x2] =	wrdreg s24  }
0xaf: {  	[dreg:$0x3] =	wrdreg s2  }
0xb0: {  	[dreg:$0x4] =	wrdreg $0x9  }
0xb1: {  	_ =	task.clear_ibuf [dreg:s7], $0x5FFFF;
	_ =	strace $0x90000046  }
0xb2: {  	s29 =	simm.s32 $0x9;
	_ =	strace $0x80000048  }
0xb3: {  	_ =	swait.ge [sflag:s29], $0x1  }
0xb4: {  	[sflag:s29] =	ssyncadd.s32 $0xFFFFFFFF  }
0xb5: {  	_ =	strace $0x90000048  }
0xb6: {  	_ =	sfence  }
0xb7: {  	s30 =	sld [smem:$0x0];
	_ =	sdelay $0x2  }
0xb8: {  	s31 =	sshll.u32 s1, $0xD;
	s1 =	sshrl.u32 s1, $0x2  }
0xb9: {  	s3 =	sand.u32 $0x4000, s31;
	s1 =	sadd.s32 s1, s30  }
0xba: {  	s0 =	sor.u32 s3, s0;
	s1 =	sshll.u32 s1, $0x11  }
0xbb: {  	s0 =	sor.u32 s1, s0  }
0xbc: {  	s0 =	sadd.s32 $0x8F2B, s0  }
0xbd: {  	[sflag:s0] =	ssyncadd.remote.s32 $0x1  }
0xbe: {  	_ =	sfence.sel $0xFFFF  }
0xbf: {  	[dreg:$0x0] =	wrdreg $0xFFFFFFFF;
	(pc) =	sbr.abs _section_cstart, $3  }
0xc0: {  	[dreg:$0x1] =	wrdreg $0xFFFFFFFF  }
0xc1: {  	_ =	task.clear_ibuf [dreg:s7], $0x2FFFF;
	_ =	strace $0x9FFFFFFF  }
0xc2: {  	(tm) =	ssettm $0x7FFFFFFF  }
0xc3: {  	_ =	shalt  }
tec
execute0_lowered:
.L_overlay_start_1:
0x0: {  	(tag) =	ssettag $0x1  }
0x1: {  	s0 =	srdreg.scid;
	s1 =	rddreg [dreg:$0x0]  }
0x2: {  	s2 =	stileid.u32;
	s5 =	rddreg [dreg:$0x1]  }
0x3: {  	s8 =	simm.s32 $0x200;
	s9 =	simm.s32 $0x6400;
	s17 =	simm.s32 $0x4000  }
0x4: {  	s18 =	simm.s32 $0x4200;
	s19 =	simm.s32 $0x4400;
	s20 =	simm.s32 $0x4600  }
0x5: {  	s21 =	simm.s32 $0x4800;
	s22 =	simm.s32 $0x4A00;
	s23 =	simm.s32 $0x4C00  }
0x6: {  	s24 =	simm.s32 $0x4E00;
	s25 =	simm.s32 $0x5000;
	s28 =	simm.s32 $0x5400  }
0x7: {  	s29 =	simm.s32 $0x5600;
	s30 =	simm.s32 $0x5800;
	s31 =	simm.s32 $0x5A00  }
0x8: {  	s10 =	simm.s32 $0x6000;
	s11 =	simm.s32 $0x6200;
	s12 =	simm.s32 $0x2  }
0x9: {  	s13 =	simm.s32 $0x0;
	s0 =	sand.u32 $0x1, s0;
	s2 =	sshll.u32 s2, $0x1  }
0xa: {  	s4 =	sor.u32 s0, s2;
	s2 =	simm.s32 $0x0;
	s0 =	ssub.s32 $0x2, s0  }
0xb: {  	s3 =	smul.u32 $0xC80, s4;
	[smem:$0x7FF] =	sst s2;
	s26 =	sshrl.u32 s0, $0x1  }
0xc: {  	s7 =	sshll.u32 s4, $0xB;
	_ =	strace $0x80000047;
	s0 =	ssub.s32 s0, s26  }
0xd: {  	s5 =	sadd.s32 s5, s7;
	s7 =	simm.s32 $0x1;
	s26 =	simm.s32 $0x5200  }
0xe: {  	s6 =	sadd.s32 s3, s1;
	s3 =	sadd.s32 $0xF42A00, s1;
	s1 =	simm.s32 $0x5C00  }
0xf: {  	v0 =	vimm.f32 $0.0e+00;
	s4 =	sadd.s32 $0x600, s6;
	s6 =	smax.u32 s0, $0x1;
	s0 =	simm.s32 $0x5E00  }
.LBB2_1:
0x10: {  	[tilespmem:s2], [sflag:$0x1] =	stream.linear.gather [hbm4b:s4+s2], $0x6400, $0x38;
	[tilespmem:$0xA400] =	vst v63  }
0x11: {  	s14 =	simm.s32 $0x80;
	s15 =	simm.s32 $0x0  }
.LBB2_2:
0x12: {  	p0 =	sne.s32 s14, $0xFF80;
	[tilespmem:s15+$0x6400] =	vst v0;
	s16 =	smov.u32 s14;
	s14 =	sadd.s32 $0x80, s14  }
.Ltmp0:
0x13: {  	[tilespmem:s15+$0x6410] =	vst v0;
	(pc) =	sbr.rel @p0 .LBB2_2-.Ltmp0, $2  }
0x14: {  	_ =	sdelay $0x2  }
0x15: {  	s15 =	sshra.s32 s16, $0x2  }
0x16: {  	[tilespmem:s15+$0x6400] =	vst v0  }
0x17: {  	[tilespmem:s15+$0x6410] =	vst v0  }
0x18: {  	_ =	swait.ge [sflag:s7], $0x6400  }
0x19: {  	[sflag:s7] =	ssyncset.done $0x0  }
0x1a: {  	[sflag:s7] =	ssyncadd.s32 $0xFFFF9C00  }
0x1b: {  	[tilespmem:s9], [sflag:$0x1] =	stream.indirect.gather.add.f32 [hbm:s3], $0x20, s2, s8, $0xb8;
	[tilespmem:$0xA400] =	vst v63  }
0x1c: {  	_ = 	snop  }
0x1d: {  	[tilespmem:s9], [sflag:$0x1] =	stream.indirect.gather.add.f32 [hbm:s3], $0x20, s8, s8, $0xb8;
	[tilespmem:$0xA400] =	vst v63  }
0x1e: {  	s14 =	simm.s32 $0x400  }
0x1f: {  	[tilespmem:s9], [sflag:$0x1] =	stream.indirect.gather.add.f32 [hbm:s3], $0x20, s14, s8, $0xb8;
	[tilespmem:$0xA400] =	vst v63  }
0x20: {  	s16 =	simm.s32 $0x600  }
0x21: {  	[tilespmem:s9], [sflag:$0x1] =	stream.indirect.gather.add.f32 [hbm:s3], $0x20, s16, s8, $0xb8;
	[tilespmem:$0xA400] =	vst v63  }
0x22: {  	s15 =	simm.s32 $0x800  }
0x23: {  	[tilespmem:s9], [sflag:$0x1] =	stream.indirect.gather.add.f32 [hbm:s3], $0x20, s15, s8, $0xb8;
	[tilespmem:$0xA400] =	vst v63  }
0x24: {  	s16 =	simm.s32 $0xA00  }
0x25: {  	[tilespmem:s9], [sflag:$0x1] =	stream.indirect.gather.add.f32 [hbm:s3], $0x20, s16, s8, $0xb8;
	[tilespmem:$0xA400] =	vst v63  }
0x26: {  	s15 =	simm.s32 $0xC00  }
0x27: {  	[tilespmem:s9], [sflag:$0x1] =	stream.indirect.gather.add.f32 [hbm:s3], $0x20, s15, s8, $0xb8;
	[tilespmem:$0xA400] =	vst v63  }
0x28: {  	s16 =	simm.s32 $0xE00  }
0x29: {  	[tilespmem:s9], [sflag:$0x1] =	stream.indirect.gather.add.f32 [hbm:s3], $0x20, s16, s8, $0xb8;
	[tilespmem:$0xA400] =	vst v63  }
0x2a: {  	s15 =	simm.s32 $0x1000  }
0x2b: {  	[tilespmem:s9], [sflag:$0x1] =	stream.indirect.gather.add.f32 [hbm:s3], $0x20, s15, s8, $0xb8;
	[tilespmem:$0xA400] =	vst v63  }
0x2c: {  	s16 =	simm.s32 $0x1200  }
0x2d: {  	[tilespmem:s9], [sflag:$0x1] =	stream.indirect.gather.add.f32 [hbm:s3], $0x20, s16, s8, $0xb8;
	[tilespmem:$0xA400] =	vst v63  }
0x2e: {  	s15 =	simm.s32 $0x1400  }
0x2f: {  	[tilespmem:s9], [sflag:$0x1] =	stream.indirect.gather.add.f32 [hbm:s3], $0x20, s15, s8, $0xb8;
	[tilespmem:$0xA400] =	vst v63  }
0x30: {  	s16 =	simm.s32 $0x1600  }
0x31: {  	[tilespmem:s9], [sflag:$0x1] =	stream.indirect.gather.add.f32 [hbm:s3], $0x20, s16, s8, $0xb8;
	[tilespmem:$0xA400] =	vst v63  }
0x32: {  	s15 =	simm.s32 $0x1800  }
0x33: {  	[tilespmem:s9], [sflag:$0x1] =	stream.indirect.gather.add.f32 [hbm:s3], $0x20, s15, s8, $0xb8;
	[tilespmem:$0xA400] =	vst v63  }
0x34: {  	s16 =	simm.s32 $0x1A00  }
0x35: {  	[tilespmem:s9], [sflag:$0x1] =	stream.indirect.gather.add.f32 [hbm:s3], $0x20, s16, s8, $0xb8;
	[tilespmem:$0xA400] =	vst v63  }
0x36: {  	s15 =	simm.s32 $0x1C00  }
0x37: {  	[tilespmem:s9], [sflag:$0x1] =	stream.indirect.gather.add.f32 [hbm:s3], $0x20, s15, s8, $0xb8;
	[tilespmem:$0xA400] =	vst v63  }
0x38: {  	s16 =	simm.s32 $0x1E00  }
0x39: {  	[tilespmem:s9], [sflag:$0x1] =	stream.indirect.gather.add.f32 [hbm:s3], $0x20, s16, s8, $0xb8;
	[tilespmem:$0xA400] =	vst v63  }
0x3a: {  	s15 =	simm.s32 $0x2000  }
0x3b: {  	[tilespmem:s9], [sflag:$0x1] =	stream.indirect.gather.add.f32 [hbm:s3], $0x20, s15, s8, $0xb8;
	[tilespmem:$0xA400] =	vst v63  }
0x3c: {  	s16 =	simm.s32 $0x2200  }
0x3d: {  	[tilespmem:s9], [sflag:$0x1] =	stream.indirect.gather.add.f32 [hbm:s3], $0x20, s16, s8, $0xb8;
	[tilespmem:$0xA400] =	vst v63  }
0x3e: {  	s15 =	simm.s32 $0x2400  }
0x3f: {  	[tilespmem:s9], [sflag:$0x1] =	stream.indirect.gather.add.f32 [hbm:s3], $0x20, s15, s8, $0xb8;
	[tilespmem:$0xA400] =	vst v63  }
0x40: {  	s16 =	simm.s32 $0x2600  }
0x41: {  	[tilespmem:s9], [sflag:$0x1] =	stream.indirect.gather.add.f32 [hbm:s3], $0x20, s16, s8, $0xb8;
	[tilespmem:$0xA400] =	vst v63  }
0x42: {  	s15 =	simm.s32 $0x2800  }
0x43: {  	[tilespmem:s9], [sflag:$0x1] =	stream.indirect.gather.add.f32 [hbm:s3], $0x20, s15, s8, $0xb8;
	[tilespmem:$0xA400] =	vst v63  }
0x44: {  	s16 =	simm.s32 $0x2A00  }
0x45: {  	[tilespmem:s9], [sflag:$0x1] =	stream.indirect.gather.add.f32 [hbm:s3], $0x20, s16, s8, $0xb8;
	[tilespmem:$0xA400] =	vst v63  }
0x46: {  	s15 =	simm.s32 $0x2C00  }
0x47: {  	[tilespmem:s9], [sflag:$0x1] =	stream.indirect.gather.add.f32 [hbm:s3], $0x20, s15, s8, $0xb8;
	[tilespmem:$0xA400] =	vst v63  }
0x48: {  	s16 =	simm.s32 $0x2E00  }
0x49: {  	[tilespmem:s9], [sflag:$0x1] =	stream.indirect.gather.add.f32 [hbm:s3], $0x20, s16, s8, $0xb8;
	[tilespmem:$0xA400] =	vst v63  }
0x4a: {  	s15 =	simm.s32 $0x3000  }
0x4b: {  	[tilespmem:s9], [sflag:$0x1] =	stream.indirect.gather.add.f32 [hbm:s3], $0x20, s15, s8, $0xb8;
	[tilespmem:$0xA400] =	vst v63  }
0x4c: {  	s16 =	simm.s32 $0x3200  }
0x4d: {  	[tilespmem:s9], [sflag:$0x1] =	stream.indirect.gather.add.f32 [hbm:s3], $0x20, s16, s8, $0xb8;
	[tilespmem:$0xA400] =	vst v63  }
0x4e: {  	s15 =	simm.s32 $0x3400  }
0x4f: {  	[tilespmem:s9], [sflag:$0x1] =	stream.indirect.gather.add.f32 [hbm:s3], $0x20, s15, s8, $0xb8;
	[tilespmem:$0xA400] =	vst v63  }
0x50: {  	s16 =	simm.s32 $0x3600  }
0x51: {  	[tilespmem:s9], [sflag:$0x1] =	stream.indirect.gather.add.f32 [hbm:s3], $0x20, s16, s8, $0xb8;
	[tilespmem:$0xA400] =	vst v63  }
0x52: {  	s15 =	simm.s32 $0x3800  }
0x53: {  	[tilespmem:s9], [sflag:$0x1] =	stream.indirect.gather.add.f32 [hbm:s3], $0x20, s15, s8, $0xb8;
	[tilespmem:$0xA400] =	vst v63  }
0x54: {  	s16 =	simm.s32 $0x3A00  }
0x55: {  	[tilespmem:s9], [sflag:$0x1] =	stream.indirect.gather.add.f32 [hbm:s3], $0x20, s16, s8, $0xb8;
	[tilespmem:$0xA400] =	vst v63  }
0x56: {  	s15 =	simm.s32 $0x3C00  }
0x57: {  	[tilespmem:s9], [sflag:$0x1] =	stream.indirect.gather.add.f32 [hbm:s3], $0x20, s15, s8, $0xb8;
	[tilespmem:$0xA400] =	vst v63  }
0x58: {  	s16 =	simm.s32 $0x3E00  }
0x59: {  	[tilespmem:s9], [sflag:$0x1] =	stream.indirect.gather.add.f32 [hbm:s3], $0x20, s16, s8, $0xb8;
	[tilespmem:$0xA400] =	vst v63  }
0x5a: {  	_ = 	snop  }
0x5b: {  	[tilespmem:s9], [sflag:$0x1] =	stream.indirect.gather.add.f32 [hbm:s3], $0x20, s17, s8, $0xb8;
	[tilespmem:$0xA400] =	vst v63  }
0x5c: {  	_ = 	snop  }
0x5d: {  	[tilespmem:s9], [sflag:$0x1] =	stream.indirect.gather.add.f32 [hbm:s3], $0x20, s18, s8, $0xb8;
	[tilespmem:$0xA400] =	vst v63  }
0x5e: {  	_ = 	snop  }
0x5f: {  	[tilespmem:s9], [sflag:$0x1] =	stream.indirect.gather.add.f32 [hbm:s3], $0x20, s19, s8, $0xb8;
	[tilespmem:$0xA400] =	vst v63  }
0x60: {  	_ = 	snop  }
0x61: {  	[tilespmem:s9], [sflag:$0x1] =	stream.indirect.gather.add.f32 [hbm:s3], $0x20, s20, s8, $0xb8;
	[tilespmem:$0xA400] =	vst v63  }
0x62: {  	_ = 	snop  }
0x63: {  	[tilespmem:s9], [sflag:$0x1] =	stream.indirect.gather.add.f32 [hbm:s3], $0x20, s21, s8, $0xb8;
	[tilespmem:$0xA400] =	vst v63  }
0x64: {  	_ = 	snop  }
0x65: {  	[tilespmem:s9], [sflag:$0x1] =	stream.indirect.gather.add.f32 [hbm:s3], $0x20, s22, s8, $0xb8;
	[tilespmem:$0xA400] =	vst v63  }
0x66: {  	_ = 	snop  }
0x67: {  	[tilespmem:s9], [sflag:$0x1] =	stream.indirect.gather.add.f32 [hbm:s3], $0x20, s23, s8, $0xb8;
	[tilespmem:$0xA400] =	vst v63  }
0x68: {  	_ = 	snop  }
0x69: {  	[tilespmem:s9], [sflag:$0x1] =	stream.indirect.gather.add.f32 [hbm:s3], $0x20, s24, s8, $0xb8;
	[tilespmem:$0xA400] =	vst v63  }
0x6a: {  	_ = 	snop  }
0x6b: {  	[tilespmem:s9], [sflag:$0x1] =	stream.indirect.gather.add.f32 [hbm:s3], $0x20, s25, s8, $0xb8;
	[tilespmem:$0xA400] =	vst v63  }
0x6c: {  	_ = 	snop  }
0x6d: {  	[tilespmem:s9], [sflag:$0x1] =	stream.indirect.gather.add.f32 [hbm:s3], $0x20, s26, s8, $0xb8;
	[tilespmem:$0xA400] =	vst v63  }
0x6e: {  	_ = 	snop  }
0x6f: {  	[tilespmem:s9], [sflag:$0x1] =	stream.indirect.gather.add.f32 [hbm:s3], $0x20, s28, s8, $0xb8;
	[tilespmem:$0xA400] =	vst v63  }
0x70: {  	_ = 	snop  }
0x71: {  	[tilespmem:s9], [sflag:$0x1] =	stream.indirect.gather.add.f32 [hbm:s3], $0x20, s29, s8, $0xb8;
	[tilespmem:$0xA400] =	vst v63  }
0x72: {  	_ = 	snop  }
0x73: {  	[tilespmem:s9], [sflag:$0x1] =	stream.indirect.gather.add.f32 [hbm:s3], $0x20, s30, s8, $0xb8;
	[tilespmem:$0xA400] =	vst v63  }
0x74: {  	_ = 	snop  }
0x75: {  	[tilespmem:s9], [sflag:$0x1] =	stream.indirect.gather.add.f32 [hbm:s3], $0x20, s31, s8, $0xb8;
	[tilespmem:$0xA400] =	vst v63  }
0x76: {  	_ = 	snop  }
0x77: {  	[tilespmem:s9], [sflag:$0x1] =	stream.indirect.gather.add.f32 [hbm:s3], $0x20, s1, s8, $0xb8;
	[tilespmem:$0xA400] =	vst v63  }
0x78: {  	_ = 	snop  }
0x79: {  	[tilespmem:s9], [sflag:$0x1] =	stream.indirect.gather.add.f32 [hbm:s3], $0x20, s0, s8, $0xb8;
	[tilespmem:$0xA400] =	vst v63  }
0x7a: {  	_ = 	snop  }
0x7b: {  	[tilespmem:s9], [sflag:$0x1] =	stream.indirect.gather.add.f32 [hbm:s3], $0x20, s10, s8, $0xb8;
	[tilespmem:$0xA400] =	vst v63  }
0x7c: {  	_ = 	snop  }
0x7d: {  	[tilespmem:s9], [sflag:$0x1] =	stream.indirect.gather.add.f32 [hbm:s3], $0x20, s11, s8, $0xb8;
	[tilespmem:$0xA400] =	vst v63  }
0x7e: {  	_ =	swait.ge [sflag:s7], $0x4000  }
0x7f: {  	[sflag:s7] =	ssyncset.done $0x0  }
0x80: {  	[sflag:s7] =	ssyncadd.s32 $0xFFFFC000  }
0x81: {  	_ =	swait.ge [sflag:s7], $0x4000  }
0x82: {  	[sflag:s7] =	ssyncset.done $0x0  }
0x83: {  	[sflag:s7] =	ssyncadd.s32 $0xFFFFC000  }
0x84: {  	_ =	swait.ge [sflag:s7], $0x4000  }
0x85: {  	[sflag:s7] =	ssyncset.done $0x0  }
0x86: {  	[sflag:s7] =	ssyncadd.s32 $0xFFFFC000  }
0x87: {  	_ =	swait.ge [sflag:s7], $0x4000  }
0x88: {  	[sflag:s7] =	ssyncset.done $0x0  }
0x89: {  	[sflag:s7] =	ssyncadd.s32 $0xFFFFC000  }
0x8a: {  	_ =	swait.ge [sflag:s7], $0x4000  }
0x8b: {  	[sflag:s7] =	ssyncset.done $0x0  }
0x8c: {  	[sflag:s7] =	ssyncadd.s32 $0xFFFFC000  }
0x8d: {  	_ =	swait.ge [sflag:s7], $0x4000  }
0x8e: {  	[sflag:s7] =	ssyncset.done $0x0  }
0x8f: {  	[sflag:s7] =	ssyncadd.s32 $0xFFFFC000  }
0x90: {  	_ =	swait.ge [sflag:s7], $0x4000  }
0x91: {  	[sflag:s7] =	ssyncset.done $0x0  }
0x92: {  	[sflag:s7] =	ssyncadd.s32 $0xFFFFC000  }
0x93: {  	_ =	swait.ge [sflag:s7], $0x4000  }
0x94: {  	[sflag:s7] =	ssyncset.done $0x0  }
0x95: {  	[sflag:s7] =	ssyncadd.s32 $0xFFFFC000  }
0x96: {  	_ =	swait.ge [sflag:s7], $0x4000  }
0x97: {  	[sflag:s7] =	ssyncset.done $0x0  }
0x98: {  	[sflag:s7] =	ssyncadd.s32 $0xFFFFC000  }
0x99: {  	_ =	swait.ge [sflag:s7], $0x4000  }
0x9a: {  	[sflag:s7] =	ssyncset.done $0x0  }
0x9b: {  	[sflag:s7] =	ssyncadd.s32 $0xFFFFC000  }
0x9c: {  	_ =	swait.ge [sflag:s7], $0x4000  }
0x9d: {  	[sflag:s7] =	ssyncset.done $0x0  }
0x9e: {  	[sflag:s7] =	ssyncadd.s32 $0xFFFFC000  }
0x9f: {  	_ =	swait.ge [sflag:s7], $0x4000  }
0xa0: {  	[sflag:s7] =	ssyncset.done $0x0  }
0xa1: {  	[sflag:s7] =	ssyncadd.s32 $0xFFFFC000  }
0xa2: {  	_ =	swait.ge [sflag:s7], $0x4000  }
0xa3: {  	[sflag:s7] =	ssyncset.done $0x0  }
0xa4: {  	[sflag:s7] =	ssyncadd.s32 $0xFFFFC000  }
0xa5: {  	_ =	swait.ge [sflag:s7], $0x4000  }
0xa6: {  	[sflag:s7] =	ssyncset.done $0x0  }
0xa7: {  	[sflag:s7] =	ssyncadd.s32 $0xFFFFC000  }
0xa8: {  	_ =	swait.ge [sflag:s7], $0x4000  }
0xa9: {  	[sflag:s7] =	ssyncset.done $0x0  }
0xaa: {  	[sflag:s7] =	ssyncadd.s32 $0xFFFFC000  }
0xab: {  	_ =	swait.ge [sflag:s7], $0x4000  }
0xac: {  	[sflag:s7] =	ssyncset.done $0x0  }
0xad: {  	[sflag:s7] =	ssyncadd.s32 $0xFFFFC000  }
0xae: {  	_ =	swait.ge [sflag:s7], $0x4000  }
0xaf: {  	[sflag:s7] =	ssyncset.done $0x0  }
0xb0: {  	[sflag:s7] =	ssyncadd.s32 $0xFFFFC000  }
0xb1: {  	_ =	swait.ge [sflag:s7], $0x4000  }
0xb2: {  	[sflag:s7] =	ssyncset.done $0x0  }
0xb3: {  	[sflag:s7] =	ssyncadd.s32 $0xFFFFC000  }
0xb4: {  	_ =	swait.ge [sflag:s7], $0x4000  }
0xb5: {  	[sflag:s7] =	ssyncset.done $0x0  }
0xb6: {  	[sflag:s7] =	ssyncadd.s32 $0xFFFFC000  }
0xb7: {  	_ =	swait.ge [sflag:s7], $0x4000  }
0xb8: {  	[sflag:s7] =	ssyncset.done $0x0  }
0xb9: {  	[sflag:s7] =	ssyncadd.s32 $0xFFFFC000  }
0xba: {  	_ =	swait.ge [sflag:s7], $0x4000  }
0xbb: {  	[sflag:s7] =	ssyncset.done $0x0  }
0xbc: {  	[sflag:s7] =	ssyncadd.s32 $0xFFFFC000  }
0xbd: {  	_ =	swait.ge [sflag:s7], $0x4000  }
0xbe: {  	[sflag:s7] =	ssyncset.done $0x0  }
0xbf: {  	[sflag:s7] =	ssyncadd.s32 $0xFFFFC000  }
0xc0: {  	_ =	swait.ge [sflag:s7], $0x4000  }
0xc1: {  	[sflag:s7] =	ssyncset.done $0x0  }
0xc2: {  	[sflag:s7] =	ssyncadd.s32 $0xFFFFC000  }
0xc3: {  	_ =	swait.ge [sflag:s7], $0x4000  }
0xc4: {  	[sflag:s7] =	ssyncset.done $0x0  }
0xc5: {  	[sflag:s7] =	ssyncadd.s32 $0xFFFFC000  }
0xc6: {  	_ =	swait.ge [sflag:s7], $0x4000  }
0xc7: {  	[sflag:s7] =	ssyncset.done $0x0  }
0xc8: {  	[sflag:s7] =	ssyncadd.s32 $0xFFFFC000  }
0xc9: {  	_ =	swait.ge [sflag:s7], $0x4000  }
0xca: {  	[sflag:s7] =	ssyncset.done $0x0  }
0xcb: {  	[sflag:s7] =	ssyncadd.s32 $0xFFFFC000  }
0xcc: {  	_ =	swait.ge [sflag:s7], $0x4000  }
0xcd: {  	[sflag:s7] =	ssyncset.done $0x0  }
0xce: {  	[sflag:s7] =	ssyncadd.s32 $0xFFFFC000  }
0xcf: {  	_ =	swait.ge [sflag:s7], $0x4000  }
0xd0: {  	[sflag:s7] =	ssyncset.done $0x0  }
0xd1: {  	[sflag:s7] =	ssyncadd.s32 $0xFFFFC000  }
0xd2: {  	_ =	swait.ge [sflag:s7], $0x4000  }
0xd3: {  	[sflag:s7] =	ssyncset.done $0x0  }
0xd4: {  	[sflag:s7] =	ssyncadd.s32 $0xFFFFC000  }
0xd5: {  	_ =	swait.ge [sflag:s7], $0x4000  }
0xd6: {  	[sflag:s7] =	ssyncset.done $0x0  }
0xd7: {  	[sflag:s7] =	ssyncadd.s32 $0xFFFFC000  }
0xd8: {  	_ =	swait.ge [sflag:s7], $0x4000  }
0xd9: {  	[sflag:s7] =	ssyncset.done $0x0  }
0xda: {  	[sflag:s7] =	ssyncadd.s32 $0xFFFFC000  }
0xdb: {  	_ =	swait.ge [sflag:s7], $0x4000  }
0xdc: {  	[sflag:s7] =	ssyncset.done $0x0  }
0xdd: {  	[sflag:s7] =	ssyncadd.s32 $0xFFFFC000  }
0xde: {  	_ =	swait.ge [sflag:s7], $0x4000  }
0xdf: {  	[sflag:s7] =	ssyncset.done $0x0  }
0xe0: {  	[sflag:s7] =	ssyncadd.s32 $0xFFFFC000  }
0xe1: {  	_ =	swait.ge [sflag:s7], $0x4000  }
0xe2: {  	[sflag:s7] =	ssyncset.done $0x0  }
0xe3: {  	[sflag:s7] =	ssyncadd.s32 $0xFFFFC000  }
0xe4: {  	_ =	swait.ge [sflag:s7], $0x4000  }
0xe5: {  	[sflag:s7] =	ssyncset.done $0x0  }
0xe6: {  	[sflag:s7] =	ssyncadd.s32 $0xFFFFC000  }
0xe7: {  	_ =	swait.ge [sflag:s7], $0x4000  }
0xe8: {  	[sflag:s7] =	ssyncset.done $0x0  }
0xe9: {  	[sflag:s7] =	ssyncadd.s32 $0xFFFFC000  }
0xea: {  	_ =	swait.ge [sflag:s7], $0x4000  }
0xeb: {  	[sflag:s7] =	ssyncset.done $0x0  }
0xec: {  	[sflag:s7] =	ssyncadd.s32 $0xFFFFC000  }
0xed: {  	_ =	swait.ge [sflag:s7], $0x4000  }
0xee: {  	[sflag:s7] =	ssyncset.done $0x0  }
0xef: {  	[sflag:s7] =	ssyncadd.s32 $0xFFFFC000  }
0xf0: {  	_ =	swait.ge [sflag:s7], $0x4000  }
0xf1: {  	[sflag:s7] =	ssyncset.done $0x0  }
0xf2: {  	[sflag:s7] =	ssyncadd.s32 $0xFFFFC000  }
0xf3: {  	_ =	swait.ge [sflag:s7], $0x4000  }
0xf4: {  	[sflag:s7] =	ssyncset.done $0x0  }
0xf5: {  	[sflag:s7] =	ssyncadd.s32 $0xFFFFC000  }
0xf6: {  	_ =	swait.ge [sflag:s7], $0x4000  }
0xf7: {  	[sflag:s7] =	ssyncset.done $0x0  }
0xf8: {  	[sflag:s7] =	ssyncadd.s32 $0xFFFFC000  }
0xf9: {  	_ =	swait.ge [sflag:s7], $0x4000  }
0xfa: {  	[sflag:s7] =	ssyncset.done $0x0  }
0xfb: {  	[sflag:s7] =	ssyncadd.s32 $0xFFFFC000  }
0xfc: {  	_ =	swait.ge [sflag:s7], $0x4000  }
0xfd: {  	[sflag:s7] =	ssyncset.done $0x0  }
0xfe: {  	[sflag:s7] =	ssyncadd.s32 $0xFFFFC000  }
0xff: {  	_ =	swait.ge [sflag:s7], $0x4000  }
0x100: {  	[sflag:s7] =	ssyncset.done $0x0  }
0x101: {  	[sflag:s7] =	ssyncadd.s32 $0xFFFFC000  }
0x102: {  	_ =	swait.ge [sflag:s7], $0x4000  }
0x103: {  	[sflag:s7] =	ssyncset.done $0x0  }
0x104: {  	[sflag:s7] =	ssyncadd.s32 $0xFFFFC000  }
0x105: {  	_ =	swait.ge [sflag:s7], $0x4000  }
0x106: {  	[sflag:s7] =	ssyncset.done $0x0  }
0x107: {  	[sflag:s7] =	ssyncadd.s32 $0xFFFFC000  }
0x108: {  	_ =	swait.ge [sflag:s7], $0x4000  }
0x109: {  	[sflag:s7] =	ssyncset.done $0x0  }
0x10a: {  	[sflag:s7] =	ssyncadd.s32 $0xFFFFC000  }
0x10b: {  	_ =	swait.ge [sflag:s7], $0x4000  }
0x10c: {  	[sflag:s7] =	ssyncset.done $0x0  }
0x10d: {  	[sflag:s7] =	ssyncadd.s32 $0xFFFFC000  }
0x10e: {  	_ =	swait.ge [sflag:s7], $0x4000  }
0x10f: {  	[sflag:s7] =	ssyncset.done $0x0  }
0x110: {  	[sflag:s7] =	ssyncadd.s32 $0xFFFFC000  }
0x111: {  	s13 =	sadd.s32 $0x1, s13;
	_ =	swait.ge [sflag:s7], $0x4000  }
0x112: {  	p0 =	sne.s32 s13, s6;
	[sflag:s7] =	ssyncset.done $0x0  }
.Ltmp1:
0x113: {  	[sflag:s7] =	ssyncadd.s32 $0xFFFFC000;
	(pc) =	sbr.rel @p0 .LBB2_1-.Ltmp1, $4  }
0x114: {  	[hbm4b:s5+s2] =	stream.linear.scatter [tilespmem:s9], [sflag:$0x2], $0x4000, $0x38;
	[tilespmem:$0xA400] =	vst v63  }
0x115: {  	_ =	swait.ge [sflag:s12], $0x4000  }
0x116: {  	[sflag:s12] =	ssyncset.done $0x0  }
0x117: {  	[sflag:s12] =	ssyncadd.s32 $0xFFFFC000  }
0x118: {  	_ =	sfence.sel $0x180000  }
0x119: {  	[bflag:$0x0] =	sbarrier.arrive $0xFFFF  }
0x11a: {  	_ =	strace $0x90000047  }
0x11b: {  	s0 =	stileid.u32;
	[bflag:$0x2] =	sbarrier.arrive $0xFFFF  }
0x11c: {  	p0 =	sne.s32 s0, $0x0;
	s0 =	rddreg [dreg:$0x2]  }
0x11d: {  	s0 =	sadd.s32 @!p0 $0x100000, s0  }
0x11e: {  	[sflag:s0] =	ssyncadd.tile.s32 @!p0 $0x1;
	_ =	shalt  }
.Lfunc_end2:
_tile_overlayer_lowered:
.L_overlay_start_2:
0x11f: {  	(tag) =	ssettag $0x2  }
0x120: {  	s0 =	rddreg [dreg:$0x0];
	s2 =	stileid.u32  }
0x121: {  	s1 =	rddreg [dreg:$0x1];
	p0 =	sne.s32 s2, $0x0  }
0x122: {  	s3 =	rddreg [dreg:$0x2];
	[bflag:$0x3] =	sbarrier.arrive $0xFFFF;
	s2 =	simm.s32 @!p0 $0x1C02  }
0x123: {  	[timem:s3], [sflag:s2] =	dma.local @!p0 [hbm:s0], s1  }
0x124: {  	s0 =	simm.s32 @!p0 $0x2  }
0x125: {  	_ =	swait.ge @!p0 [sflag:s0], s1  }
0x126: {  	s1 =	ssub.s32 @!p0 $0x0, s1;
	[sflag:s0] =	ssyncset.done @!p0 $0x0  }
0x127: {  	[sflag:s0] =	ssyncadd.s32 @!p0 s1  }
0x128: {  	[bflag:$0x3] =	sbarrier.arrive $0xFFFF  }
0x129: {  	_ =	shalt  }

</sc_bundles>
